<compile_context>
chip_gen: v7x
topology: tpu7x:2x2x1
jax: 0.10.2.dev20260603
libtpu: 0.0.44.dev20260713+nightly
codegen_flags: <defaults>
</compile_context>

<pallas_src>
import functools

import jax
import jax.numpy as jnp
from jax import lax
from jax.experimental import pallas as pl
from jax.experimental.pallas import tpu as pltpu
from jax.experimental.pallas import tpu_sc as plsc

VOCAB = 1_000_000
D = 64
BATCH = 4096
HIST = 200

_INFO = plsc.get_sparse_core_info()
NC, NS = _INFO.num_cores, _INFO.num_subcores
NW = NC * NS

TOTAL = BATCH * HIST
PER_W = TOTAL // NW
CHUNK = 128
NCHUNK = PER_W // CHUNK
K = 2
NG = NCHUNK // K


def _sc_gather(ids3, table):
    mesh = plsc.VectorSubcoreMesh(core_axis_name="c", subcore_axis_name="s")

    @functools.partial(
        pl.kernel,
        mesh=mesh,
        compiler_params=pltpu.CompilerParams(use_tc_tiling_on_sc=False),
        out_type=jax.ShapeDtypeStruct((TOTAL, D), jnp.float32),
        scratch_types=[
            pltpu.VMEM((NCHUNK, CHUNK), jnp.int32),
            pltpu.VMEM((2 * K, CHUNK, D), jnp.float32),
            pltpu.SemaphoreType.DMA,
            pltpu.SemaphoreType.DMA,
            pltpu.SemaphoreType.DMA,
            pltpu.SemaphoreType.DMA,
        ],
    )
    def k(ids_hbm, table_hbm, out_hbm, idx_v, rows_v, sg0, sg1, sw0, sw1):
        wid = lax.axis_index("s") * NC + lax.axis_index("c")
        base = wid * PER_W
        pltpu.sync_copy(ids_hbm.at[wid], idx_v)

        def fire_gathers(t, set_base, sem):
            for j in range(K):
                pltpu.async_copy(
                    table_hbm.at[idx_v.at[t * K + j]], rows_v.at[set_base + j], sem
                )

        def drain_gathers(set_base, sem):
            for j in range(K):
                pltpu.make_async_copy(
                    table_hbm.at[idx_v.at[0]], rows_v.at[set_base + j], sem
                ).wait()

        def fire_writes(t, set_base, sem):
            for j in range(K):
                pltpu.async_copy(
                    rows_v.at[set_base + j],
                    out_hbm.at[pl.ds(base + (t * K + j) * CHUNK, CHUNK)],
                    sem,
                )

        def drain_writes(set_base, sem):
            for j in range(K):
                pltpu.make_async_copy(
                    rows_v.at[set_base + j], out_hbm.at[pl.ds(base, CHUNK)], sem
                ).wait()

        fire_gathers(0, 0, sg0)

        def superstep(u, _):
            t0 = 2 * u
            drain_gathers(0, sg0)

            @pl.when(u >= 1)
            def _():
                drain_writes(K, sw1)

            fire_gathers(t0 + 1, K, sg1)
            fire_writes(t0, 0, sw0)
            drain_gathers(K, sg1)
            drain_writes(0, sw0)

            @pl.when(t0 + 2 < NG)
            def _():
                fire_gathers(t0 + 2, 0, sg0)

            fire_writes(t0 + 1, K, sw1)
            return 0

        lax.fori_loop(0, NG // 2, superstep, 0)
        drain_writes(K, sw1)

    return k(ids3, table)


def kernel(input_ids, table):
    ids3 = input_ids.astype(jnp.int32).reshape(NW, NCHUNK, CHUNK)
    out = _sc_gather(ids3, table)
    return out.reshape(BATCH, HIST, D)

# --- scband reference (transcript-rebuilt; emitter-appended) ---
"""Pipeline reference for scband-remiembedding-81423989997750 (READ-ONLY COPY).

The authoritative reference and input builder live on the scoring server;
editing this copy changes nothing except your own understanding.
"""

import jax, jax.numpy as jnp
import numpy as np

VOCAB = 1000000
D_EMBED = 64
BATCH = 4096
HIST = 200

def setup_inputs(seed: int = 0) -> dict:
    key = jax.random.key(seed)
    k_idx, k_tab = jax.random.split(key)
    input_ids = jax.random.randint(k_idx, (BATCH, HIST), 0, VOCAB, dtype=jnp.int64 if jax.config.jax_enable_x64 else jnp.int32)
    table = jax.random.normal(k_tab, (VOCAB, D_EMBED), dtype=jnp.float32) * 0.02
    return {"input_ids": input_ids, "table": table}

def reference(input_ids, table):
    # nn.Embedding lookup: gather rows of the table by token id
    return jnp.take(table, input_ids, axis=0)

if __name__ == "__main__":
    import jax
    _d = setup_inputs()
    print(jax.jit(kernel)(*tuple(_d.values())))

</pallas_src>

<mosaic_0001>
#map = affine_map<(d0, d1) -> (0, 0, 0)>
#map1 = affine_map<(d0, d1) -> (0, 0)>
module attributes {stable_mosaic.version = 14 : i64} {
  func.func @k(%arg0: i32, %arg1: i32, %arg2: memref<32x200x128xi32, #tpu.memory_space<hbm>>, %arg3: memref<1000000x64xf32, #tpu.memory_space<hbm>>, %arg4: memref<819200x64xf32, #tpu.memory_space<hbm>>, %arg5: memref<200x128xi32, #tpu.memory_space<vmem>>, %arg6: memref<4x128x64xf32, #tpu.memory_space<vmem>>, %arg7: memref<!tpu.dma_semaphore, #tpu.memory_space<semaphore_mem>>, %arg8: memref<!tpu.dma_semaphore, #tpu.memory_space<semaphore_mem>>, %arg9: memref<!tpu.dma_semaphore, #tpu.memory_space<semaphore_mem>>, %arg10: memref<!tpu.dma_semaphore, #tpu.memory_space<semaphore_mem>>) attributes {dimension_semantics = [#tpu.dimension_semantics<core_parallel>, #tpu.dimension_semantics<subcore_parallel>], iteration_bounds = array<i64: 2, 16>, scalar_prefetch = 0 : i64, scratch_operands = 6 : i64, tpu.core_type = #tpu.core_type<sc_vector_subcore>, window_params = [{transform_indices = #map}, {transform_indices = #map1}, {transform_indices = #map1}]} {
    %mul3A = arith.constant 2 : i32
    %mul3A_0 = arith.muli %arg1, %mul3A : i32
    %add3A = arith.addi %mul3A_0, %arg0 : i32
    %mul3A_1 = arith.constant 25600 : i32
    %mul3A_2 = arith.muli %add3A, %mul3A_1 : i32
    "tpu.region"() ({
      %run_scoped3A = tpu.sem_alloc : memref<!tpu.dma_semaphore, #tpu.memory_space<semaphore_mem>>
      %dma_start3A_57 = arith.constant 0 : i32
      %dma_start3A_58 = arith.constant 0 : i32
      %dma_start3A_59 = tpu.memref_slice %arg2[%add3A, %dma_start3A_57, %dma_start3A_58] : memref<32x200x128xi32, #tpu.memory_space<hbm>> -> memref<1x200x128xi32, #tpu.memory_space<hbm>>
      %dma_start3A_60 = tpu.memref_squeeze %dma_start3A_59 : memref<1x200x128xi32, #tpu.memory_space<hbm>> -> memref<200x128xi32, #tpu.memory_space<hbm>>
      %dma_start3A_61 = arith.constant 0 : i32
      %dma_start3A_62 = arith.constant 0 : i32
      %dma_start3A_63 = tpu.memref_slice %arg2[%add3A, %dma_start3A_61, %dma_start3A_62] : memref<32x200x128xi32, #tpu.memory_space<hbm>> -> memref<1x200x128xi32, #tpu.memory_space<hbm>>
      %dma_start3A_64 = tpu.memref_squeeze %dma_start3A_63 : memref<1x200x128xi32, #tpu.memory_space<hbm>> -> memref<200x128xi32, #tpu.memory_space<hbm>>
      tpu.enqueue_dma source(%dma_start3A_64 : memref<200x128xi32, #tpu.memory_space<hbm>>) target(%arg5 : memref<200x128xi32, #tpu.memory_space<vmem>>) target_semaphore(%run_scoped3A : memref<!tpu.dma_semaphore, #tpu.memory_space<semaphore_mem>>)
      %dma_wait3A_65 = arith.constant 0 : i32
      %dma_wait3A_66 = arith.constant 0 : i32
      %dma_wait3A_67 = tpu.memref_slice %arg2[%add3A, %dma_wait3A_65, %dma_wait3A_66] : memref<32x200x128xi32, #tpu.memory_space<hbm>> -> memref<1x200x128xi32, #tpu.memory_space<hbm>>
      %dma_wait3A_68 = tpu.memref_squeeze %dma_wait3A_67 : memref<1x200x128xi32, #tpu.memory_space<hbm>> -> memref<200x128xi32, #tpu.memory_space<hbm>>
      %dma_wait3A_69 = arith.constant 0 : i32
      %dma_wait3A_70 = arith.constant 0 : i32
      %dma_wait3A_71 = tpu.memref_slice %arg2[%add3A, %dma_wait3A_69, %dma_wait3A_70] : memref<32x200x128xi32, #tpu.memory_space<hbm>> -> memref<1x200x128xi32, #tpu.memory_space<hbm>>
      %dma_wait3A_72 = tpu.memref_squeeze %dma_wait3A_71 : memref<1x200x128xi32, #tpu.memory_space<hbm>> -> memref<200x128xi32, #tpu.memory_space<hbm>>
      tpu.wait_dma2 semaphore(%run_scoped3A : memref<!tpu.dma_semaphore, #tpu.memory_space<semaphore_mem>>) src(%dma_wait3A_72 : memref<200x128xi32, #tpu.memory_space<hbm>>) dst(%arg5 : memref<200x128xi32, #tpu.memory_space<vmem>>)
      tpu.yield
    }) : () -> ()
    %dma_start3A = arith.constant 0 : i32
    %dma_start3A_3 = arith.constant 0 : i32
    %dma_start3A_4 = arith.constant 0 : i32
    %dma_start3A_5 = arith.constant 0 : i32
    %dma_start3A_6 = tpu.memref_slice %arg6[%dma_start3A_3, %dma_start3A_4, %dma_start3A_5] : memref<4x128x64xf32, #tpu.memory_space<vmem>> -> memref<1x128x64xf32, #tpu.memory_space<vmem>>
    %dma_start3A_7 = tpu.memref_squeeze %dma_start3A_6 : memref<1x128x64xf32, #tpu.memory_space<vmem>> -> memref<128x64xf32, #tpu.memory_space<vmem>>
    %dma_start3A_8 = arith.constant 0 : i32
    %dma_start3A_9 = tpu.memref_slice %arg5[%dma_start3A, %dma_start3A_8] : memref<200x128xi32, #tpu.memory_space<vmem>> -> memref<1x128xi32, #tpu.memory_space<vmem>>
    %dma_start3A_10 = tpu.memref_squeeze %dma_start3A_9 : memref<1x128xi32, #tpu.memory_space<vmem>> -> memref<128xi32, #tpu.memory_space<vmem>>
    %dma_start3A_11 = arith.constant 0 : i32
    %dma_start3A_12 = arith.constant 0 : i32
    %dma_start3A_13 = tpu.memref_slice %arg3[%dma_start3A_11, %dma_start3A_12] : memref<1000000x64xf32, #tpu.memory_space<hbm>> -> memref<1000000x64xf32, #tpu.memory_space<hbm>>
    tpu.enqueue_indirect_dma source(%dma_start3A_13 : memref<1000000x64xf32, #tpu.memory_space<hbm>>) target(%dma_start3A_7 : memref<128x64xf32, #tpu.memory_space<vmem>>) offsets(%dma_start3A_10 : memref<128xi32, #tpu.memory_space<vmem>>) semaphore(%arg7 : memref<!tpu.dma_semaphore, #tpu.memory_space<semaphore_mem>>)
    %dma_start3A_14 = arith.constant 1 : i32
    %dma_start3A_15 = arith.constant 1 : i32
    %dma_start3A_16 = arith.constant 0 : i32
    %dma_start3A_17 = arith.constant 0 : i32
    %dma_start3A_18 = tpu.memref_slice %arg6[%dma_start3A_15, %dma_start3A_16, %dma_start3A_17] : memref<4x128x64xf32, #tpu.memory_space<vmem>> -> memref<1x128x64xf32, #tpu.memory_space<vmem>>
    %dma_start3A_19 = tpu.memref_squeeze %dma_start3A_18 : memref<1x128x64xf32, #tpu.memory_space<vmem>> -> memref<128x64xf32, #tpu.memory_space<vmem>>
    %dma_start3A_20 = arith.constant 0 : i32
    %dma_start3A_21 = tpu.memref_slice %arg5[%dma_start3A_14, %dma_start3A_20] : memref<200x128xi32, #tpu.memory_space<vmem>> -> memref<1x128xi32, #tpu.memory_space<vmem>>
    %dma_start3A_22 = tpu.memref_squeeze %dma_start3A_21 : memref<1x128xi32, #tpu.memory_space<vmem>> -> memref<128xi32, #tpu.memory_space<vmem>>
    %dma_start3A_23 = arith.constant 0 : i32
    %dma_start3A_24 = arith.constant 0 : i32
    %dma_start3A_25 = tpu.memref_slice %arg3[%dma_start3A_23, %dma_start3A_24] : memref<1000000x64xf32, #tpu.memory_space<hbm>> -> memref<1000000x64xf32, #tpu.memory_space<hbm>>
    tpu.enqueue_indirect_dma source(%dma_start3A_25 : memref<1000000x64xf32, #tpu.memory_space<hbm>>) target(%dma_start3A_19 : memref<128x64xf32, #tpu.memory_space<vmem>>) offsets(%dma_start3A_22 : memref<128xi32, #tpu.memory_space<vmem>>) semaphore(%arg7 : memref<!tpu.dma_semaphore, #tpu.memory_space<semaphore_mem>>)
    %scan3A = arith.constant 0 : i32
    %scan3A_26 = arith.constant 0 : i32
    %scan3A_27 = arith.constant 50 : i32
    %scan3A_28 = arith.addi %scan3A_26, %scan3A_27 : i32
    %scan3A_29 = arith.constant 1 : i32
    %scan3A_30 = scf.for %scan3A_57 = %scan3A_26 to %scan3A_28 step %scan3A_29 iter_args(%scan3A_58 = %scan3A) -> (i32)  : i32 {
      %mul3A_59 = arith.constant 2 : i32
      %mul3A_60 = arith.muli %mul3A_59, %scan3A_57 : i32
      %dma_wait3A_61 = arith.constant 0 : i32
      %dma_wait3A_62 = arith.constant 0 : i32
      %dma_wait3A_63 = arith.constant 0 : i32
      %dma_wait3A_64 = arith.constant 0 : i32
      %dma_wait3A_65 = tpu.memref_slice %arg6[%dma_wait3A_62, %dma_wait3A_63, %dma_wait3A_64] : memref<4x128x64xf32, #tpu.memory_space<vmem>> -> memref<1x128x64xf32, #tpu.memory_space<vmem>>
      %dma_wait3A_66 = tpu.memref_squeeze %dma_wait3A_65 : memref<1x128x64xf32, #tpu.memory_space<vmem>> -> memref<128x64xf32, #tpu.memory_space<vmem>>
      %dma_wait3A_67 = arith.constant 0 : i32
      %dma_wait3A_68 = tpu.memref_slice %arg5[%dma_wait3A_61, %dma_wait3A_67] : memref<200x128xi32, #tpu.memory_space<vmem>> -> memref<1x128xi32, #tpu.memory_space<vmem>>
      %dma_wait3A_69 = tpu.memref_squeeze %dma_wait3A_68 : memref<1x128xi32, #tpu.memory_space<vmem>> -> memref<128xi32, #tpu.memory_space<vmem>>
      %dma_wait3A_70 = arith.constant 0 : i32
      %dma_wait3A_71 = arith.constant 0 : i32
      %dma_wait3A_72 = tpu.memref_slice %arg3[%dma_wait3A_70, %dma_wait3A_71] : memref<1000000x64xf32, #tpu.memory_space<hbm>> -> memref<1000000x64xf32, #tpu.memory_space<hbm>>
      tpu.wait_indirect_dma semaphore(%arg7 : memref<!tpu.dma_semaphore, #tpu.memory_space<semaphore_mem>>) src(%dma_wait3A_72 : memref<1000000x64xf32, #tpu.memory_space<hbm>>) dst(%dma_wait3A_66 : memref<128x64xf32, #tpu.memory_space<vmem>>)
      %dma_wait3A_73 = arith.constant 0 : i32
      %dma_wait3A_74 = arith.constant 1 : i32
      %dma_wait3A_75 = arith.constant 0 : i32
      %dma_wait3A_76 = arith.constant 0 : i32
      %dma_wait3A_77 = tpu.memref_slice %arg6[%dma_wait3A_74, %dma_wait3A_75, %dma_wait3A_76] : memref<4x128x64xf32, #tpu.memory_space<vmem>> -> memref<1x128x64xf32, #tpu.memory_space<vmem>>
      %dma_wait3A_78 = tpu.memref_squeeze %dma_wait3A_77 : memref<1x128x64xf32, #tpu.memory_space<vmem>> -> memref<128x64xf32, #tpu.memory_space<vmem>>
      %dma_wait3A_79 = arith.constant 0 : i32
      %dma_wait3A_80 = tpu.memref_slice %arg5[%dma_wait3A_73, %dma_wait3A_79] : memref<200x128xi32, #tpu.memory_space<vmem>> -> memref<1x128xi32, #tpu.memory_space<vmem>>
      %dma_wait3A_81 = tpu.memref_squeeze %dma_wait3A_80 : memref<1x128xi32, #tpu.memory_space<vmem>> -> memref<128xi32, #tpu.memory_space<vmem>>
      %dma_wait3A_82 = arith.constant 0 : i32
      %dma_wait3A_83 = arith.constant 0 : i32
      %dma_wait3A_84 = tpu.memref_slice %arg3[%dma_wait3A_82, %dma_wait3A_83] : memref<1000000x64xf32, #tpu.memory_space<hbm>> -> memref<1000000x64xf32, #tpu.memory_space<hbm>>
      tpu.wait_indirect_dma semaphore(%arg7 : memref<!tpu.dma_semaphore, #tpu.memory_space<semaphore_mem>>) src(%dma_wait3A_84 : memref<1000000x64xf32, #tpu.memory_space<hbm>>) dst(%dma_wait3A_78 : memref<128x64xf32, #tpu.memory_space<vmem>>)
      %ge3A = arith.constant 1 : i32
      %ge3A_85 = arith.cmpi sge, %scan3A_57, %ge3A : i32
      %convert_element_type3A = arith.extui %ge3A_85 : i1 to i32
      %cond3A = arith.constant 0 : i32
      %cond3A_86 = arith.cmpi ne, %convert_element_type3A, %cond3A : i32
      scf.if %cond3A_86 {
        %dma_wait3A_258 = arith.constant 2 : i32
        %dma_wait3A_259 = arith.constant 0 : i32
        %dma_wait3A_260 = arith.constant 0 : i32
        %dma_wait3A_261 = tpu.memref_slice %arg6[%dma_wait3A_258, %dma_wait3A_259, %dma_wait3A_260] : memref<4x128x64xf32, #tpu.memory_space<vmem>> -> memref<1x128x64xf32, #tpu.memory_space<vmem>>
        %dma_wait3A_262 = tpu.memref_squeeze %dma_wait3A_261 : memref<1x128x64xf32, #tpu.memory_space<vmem>> -> memref<128x64xf32, #tpu.memory_space<vmem>>
        %dma_wait3A_263 = arith.constant 0 : i32
        %dma_wait3A_264 = tpu.memref_slice %arg4[%mul3A_2, %dma_wait3A_263] : memref<819200x64xf32, #tpu.memory_space<hbm>> -> memref<128x64xf32, #tpu.memory_space<hbm>>
        %dma_wait3A_265 = arith.constant 0 : i32
        %dma_wait3A_266 = tpu.memref_slice %arg4[%mul3A_2, %dma_wait3A_265] : memref<819200x64xf32, #tpu.memory_space<hbm>> -> memref<128x64xf32, #tpu.memory_space<hbm>>
        %dma_wait3A_267 = arith.constant 0 : i32
        %dma_wait3A_268 = arith.constant 0 : i32
        %dma_wait3A_269 = tpu.memref_slice %arg6[%dma_wait3A_258, %dma_wait3A_267, %dma_wait3A_268] : memref<4x128x64xf32, #tpu.memory_space<vmem>> -> memref<1x128x64xf32, #tpu.memory_space<vmem>>
        %dma_wait3A_270 = tpu.memref_squeeze %dma_wait3A_269 : memref<1x128x64xf32, #tpu.memory_space<vmem>> -> memref<128x64xf32, #tpu.memory_space<vmem>>
        tpu.wait_dma2 semaphore(%arg10 : memref<!tpu.dma_semaphore, #tpu.memory_space<semaphore_mem>>) src(%dma_wait3A_270 : memref<128x64xf32, #tpu.memory_space<vmem>>) dst(%dma_wait3A_266 : memref<128x64xf32, #tpu.memory_space<hbm>>)
        %dma_wait3A_271 = arith.constant 3 : i32
        %dma_wait3A_272 = arith.constant 0 : i32
        %dma_wait3A_273 = arith.constant 0 : i32
        %dma_wait3A_274 = tpu.memref_slice %arg6[%dma_wait3A_271, %dma_wait3A_272, %dma_wait3A_273] : memref<4x128x64xf32, #tpu.memory_space<vmem>> -> memref<1x128x64xf32, #tpu.memory_space<vmem>>
        %dma_wait3A_275 = tpu.memref_squeeze %dma_wait3A_274 : memref<1x128x64xf32, #tpu.memory_space<vmem>> -> memref<128x64xf32, #tpu.memory_space<vmem>>
        %dma_wait3A_276 = arith.constant 0 : i32
        %dma_wait3A_277 = tpu.memref_slice %arg4[%mul3A_2, %dma_wait3A_276] : memref<819200x64xf32, #tpu.memory_space<hbm>> -> memref<128x64xf32, #tpu.memory_space<hbm>>
        %dma_wait3A_278 = arith.constant 0 : i32
        %dma_wait3A_279 = tpu.memref_slice %arg4[%mul3A_2, %dma_wait3A_278] : memref<819200x64xf32, #tpu.memory_space<hbm>> -> memref<128x64xf32, #tpu.memory_space<hbm>>
        %dma_wait3A_280 = arith.constant 0 : i32
        %dma_wait3A_281 = arith.constant 0 : i32
        %dma_wait3A_282 = tpu.memref_slice %arg6[%dma_wait3A_271, %dma_wait3A_280, %dma_wait3A_281] : memref<4x128x64xf32, #tpu.memory_space<vmem>> -> memref<1x128x64xf32, #tpu.memory_space<vmem>>
        %dma_wait3A_283 = tpu.memref_squeeze %dma_wait3A_282 : memref<1x128x64xf32, #tpu.memory_space<vmem>> -> memref<128x64xf32, #tpu.memory_space<vmem>>
        tpu.wait_dma2 semaphore(%arg10 : memref<!tpu.dma_semaphore, #tpu.memory_space<semaphore_mem>>) src(%dma_wait3A_283 : memref<128x64xf32, #tpu.memory_space<vmem>>) dst(%dma_wait3A_279 : memref<128x64xf32, #tpu.memory_space<hbm>>)
      } else {
      }
      %add3A_87 = arith.constant 1 : i32
      %add3A_88 = arith.addi %mul3A_60, %add3A_87 : i32
      %mul3A_89 = arith.constant 2 : i32
      %mul3A_90 = arith.muli %add3A_88, %mul3A_89 : i32
      %add3A_91 = arith.constant 0 : i32
      %add3A_92 = arith.addi %mul3A_90, %add3A_91 : i32
      %dma_start3A_93 = arith.constant 2 : i32
      %dma_start3A_94 = arith.constant 0 : i32
      %dma_start3A_95 = arith.constant 0 : i32
      %dma_start3A_96 = tpu.memref_slice %arg6[%dma_start3A_93, %dma_start3A_94, %dma_start3A_95] : memref<4x128x64xf32, #tpu.memory_space<vmem>> -> memref<1x128x64xf32, #tpu.memory_space<vmem>>
      %dma_start3A_97 = tpu.memref_squeeze %dma_start3A_96 : memref<1x128x64xf32, #tpu.memory_space<vmem>> -> memref<128x64xf32, #tpu.memory_space<vmem>>
      %dma_start3A_98 = arith.constant 0 : i32
      %dma_start3A_99 = tpu.memref_slice %arg5[%add3A_92, %dma_start3A_98] : memref<200x128xi32, #tpu.memory_space<vmem>> -> memref<1x128xi32, #tpu.memory_space<vmem>>
      %dma_start3A_100 = tpu.memref_squeeze %dma_start3A_99 : memref<1x128xi32, #tpu.memory_space<vmem>> -> memref<128xi32, #tpu.memory_space<vmem>>
      %dma_start3A_101 = arith.constant 0 : i32
      %dma_start3A_102 = arith.constant 0 : i32
      %dma_start3A_103 = tpu.memref_slice %arg3[%dma_start3A_101, %dma_start3A_102] : memref<1000000x64xf32, #tpu.memory_space<hbm>> -> memref<1000000x64xf32, #tpu.memory_space<hbm>>
      tpu.enqueue_indirect_dma source(%dma_start3A_103 : memref<1000000x64xf32, #tpu.memory_space<hbm>>) target(%dma_start3A_97 : memref<128x64xf32, #tpu.memory_space<vmem>>) offsets(%dma_start3A_100 : memref<128xi32, #tpu.memory_space<vmem>>) semaphore(%arg8 : memref<!tpu.dma_semaphore, #tpu.memory_space<semaphore_mem>>)
      %mul3A_104 = arith.constant 2 : i32
      %mul3A_105 = arith.muli %add3A_88, %mul3A_104 : i32
      %add3A_106 = arith.constant 1 : i32
      %add3A_107 = arith.addi %mul3A_105, %add3A_106 : i32
      %dma_start3A_108 = arith.constant 3 : i32
      %dma_start3A_109 = arith.constant 0 : i32
      %dma_start3A_110 = arith.constant 0 : i32
      %dma_start3A_111 = tpu.memref_slice %arg6[%dma_start3A_108, %dma_start3A_109, %dma_start3A_110] : memref<4x128x64xf32, #tpu.memory_space<vmem>> -> memref<1x128x64xf32, #tpu.memory_space<vmem>>
      %dma_start3A_112 = tpu.memref_squeeze %dma_start3A_111 : memref<1x128x64xf32, #tpu.memory_space<vmem>> -> memref<128x64xf32, #tpu.memory_space<vmem>>
      %dma_start3A_113 = arith.constant 0 : i32
      %dma_start3A_114 = tpu.memref_slice %arg5[%add3A_107, %dma_start3A_113] : memref<200x128xi32, #tpu.memory_space<vmem>> -> memref<1x128xi32, #tpu.memory_space<vmem>>
      %dma_start3A_115 = tpu.memref_squeeze %dma_start3A_114 : memref<1x128xi32, #tpu.memory_space<vmem>> -> memref<128xi32, #tpu.memory_space<vmem>>
      %dma_start3A_116 = arith.constant 0 : i32
      %dma_start3A_117 = arith.constant 0 : i32
      %dma_start3A_118 = tpu.memref_slice %arg3[%dma_start3A_116, %dma_start3A_117] : memref<1000000x64xf32, #tpu.memory_space<hbm>> -> memref<1000000x64xf32, #tpu.memory_space<hbm>>
      tpu.enqueue_indirect_dma source(%dma_start3A_118 : memref<1000000x64xf32, #tpu.memory_space<hbm>>) target(%dma_start3A_112 : memref<128x64xf32, #tpu.memory_space<vmem>>) offsets(%dma_start3A_115 : memref<128xi32, #tpu.memory_space<vmem>>) semaphore(%arg8 : memref<!tpu.dma_semaphore, #tpu.memory_space<semaphore_mem>>)
      %mul3A_119 = arith.constant 2 : i32
      %mul3A_120 = arith.muli %mul3A_60, %mul3A_119 : i32
      %add3A_121 = arith.constant 0 : i32
      %add3A_122 = arith.addi %mul3A_120, %add3A_121 : i32
      %mul3A_123 = arith.constant 128 : i32
      %mul3A_124 = arith.muli %add3A_122, %mul3A_123 : i32
      %add3A_125 = arith.addi %mul3A_2, %mul3A_124 : i32
      %dma_start3A_126 = arith.constant 0 : i32
      %dma_start3A_127 = arith.constant 0 : i32
      %dma_start3A_128 = arith.constant 0 : i32
      %dma_start3A_129 = tpu.memref_slice %arg6[%dma_start3A_126, %dma_start3A_127, %dma_start3A_128] : memref<4x128x64xf32, #tpu.memory_space<vmem>> -> memref<1x128x64xf32, #tpu.memory_space<vmem>>
      %dma_start3A_130 = tpu.memref_squeeze %dma_start3A_129 : memref<1x128x64xf32, #tpu.memory_space<vmem>> -> memref<128x64xf32, #tpu.memory_space<vmem>>
      %dma_start3A_131 = arith.constant 0 : i32
      %dma_start3A_132 = tpu.memref_slice %arg4[%add3A_125, %dma_start3A_131] : memref<819200x64xf32, #tpu.memory_space<hbm>> -> memref<128x64xf32, #tpu.memory_space<hbm>>
      %dma_start3A_133 = arith.constant 0 : i32
      %dma_start3A_134 = tpu.memref_slice %arg4[%add3A_125, %dma_start3A_133] : memref<819200x64xf32, #tpu.memory_space<hbm>> -> memref<128x64xf32, #tpu.memory_space<hbm>>
      %dma_start3A_135 = arith.constant 0 : i32
      %dma_start3A_136 = arith.constant 0 : i32
      %dma_start3A_137 = tpu.memref_slice %arg6[%dma_start3A_126, %dma_start3A_135, %dma_start3A_136] : memref<4x128x64xf32, #tpu.memory_space<vmem>> -> memref<1x128x64xf32, #tpu.memory_space<vmem>>
      %dma_start3A_138 = tpu.memref_squeeze %dma_start3A_137 : memref<1x128x64xf32, #tpu.memory_space<vmem>> -> memref<128x64xf32, #tpu.memory_space<vmem>>
      tpu.enqueue_dma source(%dma_start3A_138 : memref<128x64xf32, #tpu.memory_space<vmem>>) target(%dma_start3A_134 : memref<128x64xf32, #tpu.memory_space<hbm>>) target_semaphore(%arg9 : memref<!tpu.dma_semaphore, #tpu.memory_space<semaphore_mem>>)
      %mul3A_139 = arith.constant 2 : i32
      %mul3A_140 = arith.muli %mul3A_60, %mul3A_139 : i32
      %add3A_141 = arith.constant 1 : i32
      %add3A_142 = arith.addi %mul3A_140, %add3A_141 : i32
      %mul3A_143 = arith.constant 128 : i32
      %mul3A_144 = arith.muli %add3A_142, %mul3A_143 : i32
      %add3A_145 = arith.addi %mul3A_2, %mul3A_144 : i32
      %dma_start3A_146 = arith.constant 1 : i32
      %dma_start3A_147 = arith.constant 0 : i32
      %dma_start3A_148 = arith.constant 0 : i32
      %dma_start3A_149 = tpu.memref_slice %arg6[%dma_start3A_146, %dma_start3A_147, %dma_start3A_148] : memref<4x128x64xf32, #tpu.memory_space<vmem>> -> memref<1x128x64xf32, #tpu.memory_space<vmem>>
      %dma_start3A_150 = tpu.memref_squeeze %dma_start3A_149 : memref<1x128x64xf32, #tpu.memory_space<vmem>> -> memref<128x64xf32, #tpu.memory_space<vmem>>
      %dma_start3A_151 = arith.constant 0 : i32
      %dma_start3A_152 = tpu.memref_slice %arg4[%add3A_145, %dma_start3A_151] : memref<819200x64xf32, #tpu.memory_space<hbm>> -> memref<128x64xf32, #tpu.memory_space<hbm>>
      %dma_start3A_153 = arith.constant 0 : i32
      %dma_start3A_154 = tpu.memref_slice %arg4[%add3A_145, %dma_start3A_153] : memref<819200x64xf32, #tpu.memory_space<hbm>> -> memref<128x64xf32, #tpu.memory_space<hbm>>
      %dma_start3A_155 = arith.constant 0 : i32
      %dma_start3A_156 = arith.constant 0 : i32
      %dma_start3A_157 = tpu.memref_slice %arg6[%dma_start3A_146, %dma_start3A_155, %dma_start3A_156] : memref<4x128x64xf32, #tpu.memory_space<vmem>> -> memref<1x128x64xf32, #tpu.memory_space<vmem>>
      %dma_start3A_158 = tpu.memref_squeeze %dma_start3A_157 : memref<1x128x64xf32, #tpu.memory_space<vmem>> -> memref<128x64xf32, #tpu.memory_space<vmem>>
      tpu.enqueue_dma source(%dma_start3A_158 : memref<128x64xf32, #tpu.memory_space<vmem>>) target(%dma_start3A_154 : memref<128x64xf32, #tpu.memory_space<hbm>>) target_semaphore(%arg9 : memref<!tpu.dma_semaphore, #tpu.memory_space<semaphore_mem>>)
      %dma_wait3A_159 = arith.constant 0 : i32
      %dma_wait3A_160 = arith.constant 2 : i32
      %dma_wait3A_161 = arith.constant 0 : i32
      %dma_wait3A_162 = arith.constant 0 : i32
      %dma_wait3A_163 = tpu.memref_slice %arg6[%dma_wait3A_160, %dma_wait3A_161, %dma_wait3A_162] : memref<4x128x64xf32, #tpu.memory_space<vmem>> -> memref<1x128x64xf32, #tpu.memory_space<vmem>>
      %dma_wait3A_164 = tpu.memref_squeeze %dma_wait3A_163 : memref<1x128x64xf32, #tpu.memory_space<vmem>> -> memref<128x64xf32, #tpu.memory_space<vmem>>
      %dma_wait3A_165 = arith.constant 0 : i32
      %dma_wait3A_166 = tpu.memref_slice %arg5[%dma_wait3A_159, %dma_wait3A_165] : memref<200x128xi32, #tpu.memory_space<vmem>> -> memref<1x128xi32, #tpu.memory_space<vmem>>
      %dma_wait3A_167 = tpu.memref_squeeze %dma_wait3A_166 : memref<1x128xi32, #tpu.memory_space<vmem>> -> memref<128xi32, #tpu.memory_space<vmem>>
      %dma_wait3A_168 = arith.constant 0 : i32
      %dma_wait3A_169 = arith.constant 0 : i32
      %dma_wait3A_170 = tpu.memref_slice %arg3[%dma_wait3A_168, %dma_wait3A_169] : memref<1000000x64xf32, #tpu.memory_space<hbm>> -> memref<1000000x64xf32, #tpu.memory_space<hbm>>
      tpu.wait_indirect_dma semaphore(%arg8 : memref<!tpu.dma_semaphore, #tpu.memory_space<semaphore_mem>>) src(%dma_wait3A_170 : memref<1000000x64xf32, #tpu.memory_space<hbm>>) dst(%dma_wait3A_164 : memref<128x64xf32, #tpu.memory_space<vmem>>)
      %dma_wait3A_171 = arith.constant 0 : i32
      %dma_wait3A_172 = arith.constant 3 : i32
      %dma_wait3A_173 = arith.constant 0 : i32
      %dma_wait3A_174 = arith.constant 0 : i32
      %dma_wait3A_175 = tpu.memref_slice %arg6[%dma_wait3A_172, %dma_wait3A_173, %dma_wait3A_174] : memref<4x128x64xf32, #tpu.memory_space<vmem>> -> memref<1x128x64xf32, #tpu.memory_space<vmem>>
      %dma_wait3A_176 = tpu.memref_squeeze %dma_wait3A_175 : memref<1x128x64xf32, #tpu.memory_space<vmem>> -> memref<128x64xf32, #tpu.memory_space<vmem>>
      %dma_wait3A_177 = arith.constant 0 : i32
      %dma_wait3A_178 = tpu.memref_slice %arg5[%dma_wait3A_171, %dma_wait3A_177] : memref<200x128xi32, #tpu.memory_space<vmem>> -> memref<1x128xi32, #tpu.memory_space<vmem>>
      %dma_wait3A_179 = tpu.memref_squeeze %dma_wait3A_178 : memref<1x128xi32, #tpu.memory_space<vmem>> -> memref<128xi32, #tpu.memory_space<vmem>>
      %dma_wait3A_180 = arith.constant 0 : i32
      %dma_wait3A_181 = arith.constant 0 : i32
      %dma_wait3A_182 = tpu.memref_slice %arg3[%dma_wait3A_180, %dma_wait3A_181] : memref<1000000x64xf32, #tpu.memory_space<hbm>> -> memref<1000000x64xf32, #tpu.memory_space<hbm>>
      tpu.wait_indirect_dma semaphore(%arg8 : memref<!tpu.dma_semaphore, #tpu.memory_space<semaphore_mem>>) src(%dma_wait3A_182 : memref<1000000x64xf32, #tpu.memory_space<hbm>>) dst(%dma_wait3A_176 : memref<128x64xf32, #tpu.memory_space<vmem>>)
      %dma_wait3A_183 = arith.constant 0 : i32
      %dma_wait3A_184 = arith.constant 0 : i32
      %dma_wait3A_185 = arith.constant 0 : i32
      %dma_wait3A_186 = tpu.memref_slice %arg6[%dma_wait3A_183, %dma_wait3A_184, %dma_wait3A_185] : memref<4x128x64xf32, #tpu.memory_space<vmem>> -> memref<1x128x64xf32, #tpu.memory_space<vmem>>
      %dma_wait3A_187 = tpu.memref_squeeze %dma_wait3A_186 : memref<1x128x64xf32, #tpu.memory_space<vmem>> -> memref<128x64xf32, #tpu.memory_space<vmem>>
      %dma_wait3A_188 = arith.constant 0 : i32
      %dma_wait3A_189 = tpu.memref_slice %arg4[%mul3A_2, %dma_wait3A_188] : memref<819200x64xf32, #tpu.memory_space<hbm>> -> memref<128x64xf32, #tpu.memory_space<hbm>>
      %dma_wait3A_190 = arith.constant 0 : i32
      %dma_wait3A_191 = tpu.memref_slice %arg4[%mul3A_2, %dma_wait3A_190] : memref<819200x64xf32, #tpu.memory_space<hbm>> -> memref<128x64xf32, #tpu.memory_space<hbm>>
      %dma_wait3A_192 = arith.constant 0 : i32
      %dma_wait3A_193 = arith.constant 0 : i32
      %dma_wait3A_194 = tpu.memref_slice %arg6[%dma_wait3A_183, %dma_wait3A_192, %dma_wait3A_193] : memref<4x128x64xf32, #tpu.memory_space<vmem>> -> memref<1x128x64xf32, #tpu.memory_space<vmem>>
      %dma_wait3A_195 = tpu.memref_squeeze %dma_wait3A_194 : memref<1x128x64xf32, #tpu.memory_space<vmem>> -> memref<128x64xf32, #tpu.memory_space<vmem>>
      tpu.wait_dma2 semaphore(%arg9 : memref<!tpu.dma_semaphore, #tpu.memory_space<semaphore_mem>>) src(%dma_wait3A_195 : memref<128x64xf32, #tpu.memory_space<vmem>>) dst(%dma_wait3A_191 : memref<128x64xf32, #tpu.memory_space<hbm>>)
      %dma_wait3A_196 = arith.constant 1 : i32
      %dma_wait3A_197 = arith.constant 0 : i32
      %dma_wait3A_198 = arith.constant 0 : i32
      %dma_wait3A_199 = tpu.memref_slice %arg6[%dma_wait3A_196, %dma_wait3A_197, %dma_wait3A_198] : memref<4x128x64xf32, #tpu.memory_space<vmem>> -> memref<1x128x64xf32, #tpu.memory_space<vmem>>
      %dma_wait3A_200 = tpu.memref_squeeze %dma_wait3A_199 : memref<1x128x64xf32, #tpu.memory_space<vmem>> -> memref<128x64xf32, #tpu.memory_space<vmem>>
      %dma_wait3A_201 = arith.constant 0 : i32
      %dma_wait3A_202 = tpu.memref_slice %arg4[%mul3A_2, %dma_wait3A_201] : memref<819200x64xf32, #tpu.memory_space<hbm>> -> memref<128x64xf32, #tpu.memory_space<hbm>>
      %dma_wait3A_203 = arith.constant 0 : i32
      %dma_wait3A_204 = tpu.memref_slice %arg4[%mul3A_2, %dma_wait3A_203] : memref<819200x64xf32, #tpu.memory_space<hbm>> -> memref<128x64xf32, #tpu.memory_space<hbm>>
      %dma_wait3A_205 = arith.constant 0 : i32
      %dma_wait3A_206 = arith.constant 0 : i32
      %dma_wait3A_207 = tpu.memref_slice %arg6[%dma_wait3A_196, %dma_wait3A_205, %dma_wait3A_206] : memref<4x128x64xf32, #tpu.memory_space<vmem>> -> memref<1x128x64xf32, #tpu.memory_space<vmem>>
      %dma_wait3A_208 = tpu.memref_squeeze %dma_wait3A_207 : memref<1x128x64xf32, #tpu.memory_space<vmem>> -> memref<128x64xf32, #tpu.memory_space<vmem>>
      tpu.wait_dma2 semaphore(%arg9 : memref<!tpu.dma_semaphore, #tpu.memory_space<semaphore_mem>>) src(%dma_wait3A_208 : memref<128x64xf32, #tpu.memory_space<vmem>>) dst(%dma_wait3A_204 : memref<128x64xf32, #tpu.memory_space<hbm>>)
      %add3A_209 = arith.constant 2 : i32
      %add3A_210 = arith.addi %mul3A_60, %add3A_209 : i32
      %lt3A = arith.constant 100 : i32
      %lt3A_211 = arith.cmpi slt, %add3A_210, %lt3A : i32
      %convert_element_type3A_212 = arith.extui %lt3A_211 : i1 to i32
      %cond3A_213 = arith.constant 0 : i32
      %cond3A_214 = arith.cmpi ne, %convert_element_type3A_212, %cond3A_213 : i32
      scf.if %cond3A_214 {
        %add3A_258 = arith.constant 2 : i32
        %add3A_259 = arith.addi %mul3A_60, %add3A_258 : i32
        %mul3A_260 = arith.constant 2 : i32
        %mul3A_261 = arith.muli %add3A_259, %mul3A_260 : i32
        %add3A_262 = arith.constant 0 : i32
        %add3A_263 = arith.addi %mul3A_261, %add3A_262 : i32
        %dma_start3A_264 = arith.constant 0 : i32
        %dma_start3A_265 = arith.constant 0 : i32
        %dma_start3A_266 = arith.constant 0 : i32
        %dma_start3A_267 = tpu.memref_slice %arg6[%dma_start3A_264, %dma_start3A_265, %dma_start3A_266] : memref<4x128x64xf32, #tpu.memory_space<vmem>> -> memref<1x128x64xf32, #tpu.memory_space<vmem>>
        %dma_start3A_268 = tpu.memref_squeeze %dma_start3A_267 : memref<1x128x64xf32, #tpu.memory_space<vmem>> -> memref<128x64xf32, #tpu.memory_space<vmem>>
        %dma_start3A_269 = arith.constant 0 : i32
        %dma_start3A_270 = tpu.memref_slice %arg5[%add3A_263, %dma_start3A_269] : memref<200x128xi32, #tpu.memory_space<vmem>> -> memref<1x128xi32, #tpu.memory_space<vmem>>
        %dma_start3A_271 = tpu.memref_squeeze %dma_start3A_270 : memref<1x128xi32, #tpu.memory_space<vmem>> -> memref<128xi32, #tpu.memory_space<vmem>>
        %dma_start3A_272 = arith.constant 0 : i32
        %dma_start3A_273 = arith.constant 0 : i32
        %dma_start3A_274 = tpu.memref_slice %arg3[%dma_start3A_272, %dma_start3A_273] : memref<1000000x64xf32, #tpu.memory_space<hbm>> -> memref<1000000x64xf32, #tpu.memory_space<hbm>>
        tpu.enqueue_indirect_dma source(%dma_start3A_274 : memref<1000000x64xf32, #tpu.memory_space<hbm>>) target(%dma_start3A_268 : memref<128x64xf32, #tpu.memory_space<vmem>>) offsets(%dma_start3A_271 : memref<128xi32, #tpu.memory_space<vmem>>) semaphore(%arg7 : memref<!tpu.dma_semaphore, #tpu.memory_space<semaphore_mem>>)
        %mul3A_275 = arith.constant 2 : i32
        %mul3A_276 = arith.muli %add3A_259, %mul3A_275 : i32
        %add3A_277 = arith.constant 1 : i32
        %add3A_278 = arith.addi %mul3A_276, %add3A_277 : i32
        %dma_start3A_279 = arith.constant 1 : i32
        %dma_start3A_280 = arith.constant 0 : i32
        %dma_start3A_281 = arith.constant 0 : i32
        %dma_start3A_282 = tpu.memref_slice %arg6[%dma_start3A_279, %dma_start3A_280, %dma_start3A_281] : memref<4x128x64xf32, #tpu.memory_space<vmem>> -> memref<1x128x64xf32, #tpu.memory_space<vmem>>
        %dma_start3A_283 = tpu.memref_squeeze %dma_start3A_282 : memref<1x128x64xf32, #tpu.memory_space<vmem>> -> memref<128x64xf32, #tpu.memory_space<vmem>>
        %dma_start3A_284 = arith.constant 0 : i32
        %dma_start3A_285 = tpu.memref_slice %arg5[%add3A_278, %dma_start3A_284] : memref<200x128xi32, #tpu.memory_space<vmem>> -> memref<1x128xi32, #tpu.memory_space<vmem>>
        %dma_start3A_286 = tpu.memref_squeeze %dma_start3A_285 : memref<1x128xi32, #tpu.memory_space<vmem>> -> memref<128xi32, #tpu.memory_space<vmem>>
        %dma_start3A_287 = arith.constant 0 : i32
        %dma_start3A_288 = arith.constant 0 : i32
        %dma_start3A_289 = tpu.memref_slice %arg3[%dma_start3A_287, %dma_start3A_288] : memref<1000000x64xf32, #tpu.memory_space<hbm>> -> memref<1000000x64xf32, #tpu.memory_space<hbm>>
        tpu.enqueue_indirect_dma source(%dma_start3A_289 : memref<1000000x64xf32, #tpu.memory_space<hbm>>) target(%dma_start3A_283 : memref<128x64xf32, #tpu.memory_space<vmem>>) offsets(%dma_start3A_286 : memref<128xi32, #tpu.memory_space<vmem>>) semaphore(%arg7 : memref<!tpu.dma_semaphore, #tpu.memory_space<semaphore_mem>>)
      } else {
      }
      %add3A_215 = arith.constant 1 : i32
      %add3A_216 = arith.addi %mul3A_60, %add3A_215 : i32
      %mul3A_217 = arith.constant 2 : i32
      %mul3A_218 = arith.muli %add3A_216, %mul3A_217 : i32
      %add3A_219 = arith.constant 0 : i32
      %add3A_220 = arith.addi %mul3A_218, %add3A_219 : i32
      %mul3A_221 = arith.constant 128 : i32
      %mul3A_222 = arith.muli %add3A_220, %mul3A_221 : i32
      %add3A_223 = arith.addi %mul3A_2, %mul3A_222 : i32
      %dma_start3A_224 = arith.constant 2 : i32
      %dma_start3A_225 = arith.constant 0 : i32
      %dma_start3A_226 = arith.constant 0 : i32
      %dma_start3A_227 = tpu.memref_slice %arg6[%dma_start3A_224, %dma_start3A_225, %dma_start3A_226] : memref<4x128x64xf32, #tpu.memory_space<vmem>> -> memref<1x128x64xf32, #tpu.memory_space<vmem>>
      %dma_start3A_228 = tpu.memref_squeeze %dma_start3A_227 : memref<1x128x64xf32, #tpu.memory_space<vmem>> -> memref<128x64xf32, #tpu.memory_space<vmem>>
      %dma_start3A_229 = arith.constant 0 : i32
      %dma_start3A_230 = tpu.memref_slice %arg4[%add3A_223, %dma_start3A_229] : memref<819200x64xf32, #tpu.memory_space<hbm>> -> memref<128x64xf32, #tpu.memory_space<hbm>>
      %dma_start3A_231 = arith.constant 0 : i32
      %dma_start3A_232 = tpu.memref_slice %arg4[%add3A_223, %dma_start3A_231] : memref<819200x64xf32, #tpu.memory_space<hbm>> -> memref<128x64xf32, #tpu.memory_space<hbm>>
      %dma_start3A_233 = arith.constant 0 : i32
      %dma_start3A_234 = arith.constant 0 : i32
      %dma_start3A_235 = tpu.memref_slice %arg6[%dma_start3A_224, %dma_start3A_233, %dma_start3A_234] : memref<4x128x64xf32, #tpu.memory_space<vmem>> -> memref<1x128x64xf32, #tpu.memory_space<vmem>>
      %dma_start3A_236 = tpu.memref_squeeze %dma_start3A_235 : memref<1x128x64xf32, #tpu.memory_space<vmem>> -> memref<128x64xf32, #tpu.memory_space<vmem>>
      tpu.enqueue_dma source(%dma_start3A_236 : memref<128x64xf32, #tpu.memory_space<vmem>>) target(%dma_start3A_232 : memref<128x64xf32, #tpu.memory_space<hbm>>) target_semaphore(%arg10 : memref<!tpu.dma_semaphore, #tpu.memory_space<semaphore_mem>>)
      %mul3A_237 = arith.constant 2 : i32
      %mul3A_238 = arith.muli %add3A_216, %mul3A_237 : i32
      %add3A_239 = arith.constant 1 : i32
      %add3A_240 = arith.addi %mul3A_238, %add3A_239 : i32
      %mul3A_241 = arith.constant 128 : i32
      %mul3A_242 = arith.muli %add3A_240, %mul3A_241 : i32
      %add3A_243 = arith.addi %mul3A_2, %mul3A_242 : i32
      %dma_start3A_244 = arith.constant 3 : i32
      %dma_start3A_245 = arith.constant 0 : i32
      %dma_start3A_246 = arith.constant 0 : i32
      %dma_start3A_247 = tpu.memref_slice %arg6[%dma_start3A_244, %dma_start3A_245, %dma_start3A_246] : memref<4x128x64xf32, #tpu.memory_space<vmem>> -> memref<1x128x64xf32, #tpu.memory_space<vmem>>
      %dma_start3A_248 = tpu.memref_squeeze %dma_start3A_247 : memref<1x128x64xf32, #tpu.memory_space<vmem>> -> memref<128x64xf32, #tpu.memory_space<vmem>>
      %dma_start3A_249 = arith.constant 0 : i32
      %dma_start3A_250 = tpu.memref_slice %arg4[%add3A_243, %dma_start3A_249] : memref<819200x64xf32, #tpu.memory_space<hbm>> -> memref<128x64xf32, #tpu.memory_space<hbm>>
      %dma_start3A_251 = arith.constant 0 : i32
      %dma_start3A_252 = tpu.memref_slice %arg4[%add3A_243, %dma_start3A_251] : memref<819200x64xf32, #tpu.memory_space<hbm>> -> memref<128x64xf32, #tpu.memory_space<hbm>>
      %dma_start3A_253 = arith.constant 0 : i32
      %dma_start3A_254 = arith.constant 0 : i32
      %dma_start3A_255 = tpu.memref_slice %arg6[%dma_start3A_244, %dma_start3A_253, %dma_start3A_254] : memref<4x128x64xf32, #tpu.memory_space<vmem>> -> memref<1x128x64xf32, #tpu.memory_space<vmem>>
      %dma_start3A_256 = tpu.memref_squeeze %dma_start3A_255 : memref<1x128x64xf32, #tpu.memory_space<vmem>> -> memref<128x64xf32, #tpu.memory_space<vmem>>
      tpu.enqueue_dma source(%dma_start3A_256 : memref<128x64xf32, #tpu.memory_space<vmem>>) target(%dma_start3A_252 : memref<128x64xf32, #tpu.memory_space<hbm>>) target_semaphore(%arg10 : memref<!tpu.dma_semaphore, #tpu.memory_space<semaphore_mem>>)
      %scan3A_257 = arith.constant 0 : i32
      scf.yield %scan3A_257 : i32
    }
    %scan3A_31 = arith.constant 50 : i32
    %dma_wait3A = arith.constant 2 : i32
    %dma_wait3A_32 = arith.constant 0 : i32
    %dma_wait3A_33 = arith.constant 0 : i32
    %dma_wait3A_34 = tpu.memref_slice %arg6[%dma_wait3A, %dma_wait3A_32, %dma_wait3A_33] : memref<4x128x64xf32, #tpu.memory_space<vmem>> -> memref<1x128x64xf32, #tpu.memory_space<vmem>>
    %dma_wait3A_35 = tpu.memref_squeeze %dma_wait3A_34 : memref<1x128x64xf32, #tpu.memory_space<vmem>> -> memref<128x64xf32, #tpu.memory_space<vmem>>
    %dma_wait3A_36 = arith.constant 0 : i32
    %dma_wait3A_37 = tpu.memref_slice %arg4[%mul3A_2, %dma_wait3A_36] : memref<819200x64xf32, #tpu.memory_space<hbm>> -> memref<128x64xf32, #tpu.memory_space<hbm>>
    %dma_wait3A_38 = arith.constant 0 : i32
    %dma_wait3A_39 = tpu.memref_slice %arg4[%mul3A_2, %dma_wait3A_38] : memref<819200x64xf32, #tpu.memory_space<hbm>> -> memref<128x64xf32, #tpu.memory_space<hbm>>
    %dma_wait3A_40 = arith.constant 0 : i32
    %dma_wait3A_41 = arith.constant 0 : i32
    %dma_wait3A_42 = tpu.memref_slice %arg6[%dma_wait3A, %dma_wait3A_40, %dma_wait3A_41] : memref<4x128x64xf32, #tpu.memory_space<vmem>> -> memref<1x128x64xf32, #tpu.memory_space<vmem>>
    %dma_wait3A_43 = tpu.memref_squeeze %dma_wait3A_42 : memref<1x128x64xf32, #tpu.memory_space<vmem>> -> memref<128x64xf32, #tpu.memory_space<vmem>>
    tpu.wait_dma2 semaphore(%arg10 : memref<!tpu.dma_semaphore, #tpu.memory_space<semaphore_mem>>) src(%dma_wait3A_43 : memref<128x64xf32, #tpu.memory_space<vmem>>) dst(%dma_wait3A_39 : memref<128x64xf32, #tpu.memory_space<hbm>>)
    %dma_wait3A_44 = arith.constant 3 : i32
    %dma_wait3A_45 = arith.constant 0 : i32
    %dma_wait3A_46 = arith.constant 0 : i32
    %dma_wait3A_47 = tpu.memref_slice %arg6[%dma_wait3A_44, %dma_wait3A_45, %dma_wait3A_46] : memref<4x128x64xf32, #tpu.memory_space<vmem>> -> memref<1x128x64xf32, #tpu.memory_space<vmem>>
    %dma_wait3A_48 = tpu.memref_squeeze %dma_wait3A_47 : memref<1x128x64xf32, #tpu.memory_space<vmem>> -> memref<128x64xf32, #tpu.memory_space<vmem>>
    %dma_wait3A_49 = arith.constant 0 : i32
    %dma_wait3A_50 = tpu.memref_slice %arg4[%mul3A_2, %dma_wait3A_49] : memref<819200x64xf32, #tpu.memory_space<hbm>> -> memref<128x64xf32, #tpu.memory_space<hbm>>
    %dma_wait3A_51 = arith.constant 0 : i32
    %dma_wait3A_52 = tpu.memref_slice %arg4[%mul3A_2, %dma_wait3A_51] : memref<819200x64xf32, #tpu.memory_space<hbm>> -> memref<128x64xf32, #tpu.memory_space<hbm>>
    %dma_wait3A_53 = arith.constant 0 : i32
    %dma_wait3A_54 = arith.constant 0 : i32
    %dma_wait3A_55 = tpu.memref_slice %arg6[%dma_wait3A_44, %dma_wait3A_53, %dma_wait3A_54] : memref<4x128x64xf32, #tpu.memory_space<vmem>> -> memref<1x128x64xf32, #tpu.memory_space<vmem>>
    %dma_wait3A_56 = tpu.memref_squeeze %dma_wait3A_55 : memref<1x128x64xf32, #tpu.memory_space<vmem>> -> memref<128x64xf32, #tpu.memory_space<vmem>>
    tpu.wait_dma2 semaphore(%arg10 : memref<!tpu.dma_semaphore, #tpu.memory_space<semaphore_mem>>) src(%dma_wait3A_56 : memref<128x64xf32, #tpu.memory_space<vmem>>) dst(%dma_wait3A_52 : memref<128x64xf32, #tpu.memory_space<hbm>>)
    return
  }
}

</mosaic_0001>

<sc_bundles>
// kernel: kernel.3.cloned.1.call-start
scs
__scs_entry_jumppad:
0x0: {  	(pc) =	sbr.rel $0x88, $3  }
0x1: {  	(tag) =	ssettag $0x0;
	lr =	simm.s32 $0x1  }
0x2: {  	[smem:$0x3F9F] =	sst lr;
	_ =	strace $0xD0000000  }
0x3: {  	_ = 	snop  }
0x4: {  	_ = 	snop  }
0x5: {  	_ = 	snop  }
0x6: {  	_ = 	snop  }
0x7: {  	_ = 	snop  }
__scs_overlays_trampoline_lowered:
0x8: {  	[smem:$0x3FAE] =	sst s0  }
0x9: {  	[smem:$0x3FAF] =	sst s1  }
0xa: {  	[smem:$0x3FB0] =	sst s2  }
0xb: {  	[smem:$0x3FB1] =	sst s3  }
0xc: {  	[smem:$0x3FB2] =	sst s4  }
0xd: {  	[smem:$0x3FB3] =	sst s5  }
0xe: {  	[smem:$0x3FB4] =	sst s6  }
0xf: {  	[smem:$0x3FB5] =	sst s7  }
0x10: {  	[smem:$0x3FB6] =	sst s8  }
0x11: {  	[smem:$0x3FB7] =	sst s9;
	s0 =	simm.s32 @!p0 $0x0  }
0x12: {  	s1 =	sld [smem:$0x3F9D];
	s0 =	simm.s32 @p0 $0x1  }
0x13: {  	[smem:$0x3FB8] =	sst s0;
	s0 =	simm.s32 @!p1 $0x0  }
0x14: {  	s2 =	sld [smem:$0x3F9C];
	s0 =	simm.s32 @p1 $0x1  }
0x15: {  	[smem:$0x3FB9] =	sst s0;
	s0 =	simm.s32 @!p2 $0x0  }
0x16: {  	s3 =	sld [smem:$0x3FDB];
	s0 =	simm.s32 @p2 $0x1  }
0x17: {  	s4 =	simm.s32 $0x1BF5;
	[smem:$0x3FBB] =	sst s0  }
0x18: {  	s0 =	sld [smem:$0x3F9E];
	_ =	swait.ge [sflag:s4], $0x0  }
0x19: {  	s7 =	sld [smem:$0x3F9F]  }
0x1a: {  	s8 =	sadd.s32 $0xFFFFE003, lr  }
0x1b: {  	s9 =	sadd.s32 $0xFFFFFEF7, lr;
	s5 =	simm.s32 $0xFFFFFFFF;
	p2 =	slt.u32 s8, $0xFFFFF086  }
0x1c: {  	p1 =	slt.u32 s9, $0xF7A;
	s5 =	simm.s32 @!p2 $0x0  }
0x1d: {  	s5 =	simm.s32 @p1 $0x1;
	p0 =	seq.s32 s7, s2  }
0x1e: {  	s7 =	smul.u32 @!p0 $0xF7A, s2;
	p2 =	seq.s32 @!p0 s5, $0x0  }
0x1f: {  	s9 =	smul.u32 $0xF7A, s1;
	s8 =	simm.s32 @!p0 $0x1BF5;
	p2 =	por !p2, p0  }
0x20: {  	[sflag:s8] =	ssyncset.s32 @!p0 $0xFFFFF086;
	s6 =	sadd.s32 @!p0 s3, s7;
	s7 =	simm.s32 @!p0 $0x108  }
0x21: {  	s3 =	sadd.s32 s3, s9;
	s6 =	sadd.s32 @!p0 $0x88, s6;
	s7 =	simm.s32 @p2 $0x1082  }
0x22: {  	[simem:s7], [sflag:s8] =	dma.local @!p0 [hbm:s6], $0xF7A  }
0x23: {  	s9 =	sor.u32 $0xD0000000, s2;
	s6 =	simm.s32 $0x108;
	_ =	swait.ge @!p0 [sflag:s8], $0x0  }
0x24: {  	s3 =	sadd.s32 $0x88, s3;
	s6 =	simm.s32 @!p1 $0x1082;
	[sflag:s4] =	ssyncset.s32 $0xFFFFF086  }
0x25: {  	[simem:s6], [sflag:s4] =	dma.local [hbm:s3], $0xF7A  }
0x26: {  	[smem:$0x3F9F] =	sst s1;
	(tag) =	ssettag s2;
	_ =	strace s9  }
0x27: {  	s1 =	sld [smem:$0x3FAF]  }
0x28: {  	s2 =	sld [smem:$0x3FB0]  }
0x29: {  	s4 =	sld [smem:$0x3FB2]  }
0x2a: {  	p0 =	seq.s32 s5, $0x0;
	s5 =	sld [smem:$0x3FB3]  }
0x2b: {  	s6 =	sld [smem:$0x3FB4]  }
0x2c: {  	s7 =	sld [smem:$0x3FB5]  }
0x2d: {  	s3 =	simm.s32 $0x108;
	s8 =	sld [smem:$0x3FB6]  }
0x2e: {  	s3 =	simm.s32 @!p0 $0x1082;
	s9 =	sld [smem:$0x3FB7]  }
0x2f: {  	lr =	sadd.s32 s0, s3;
	s0 =	sld [smem:$0x3FAE]  }
0x30: {  	s3 =	sld [smem:$0x3FB1]  }
0x31: {  	[smem:$0x3FBA] =	sst s10  }
0x32: {  	s10 =	sld [smem:$0x3FB8];
	_ =	sdelay $0x3  }
0x33: {  	p0 =	seq.s32 s10, $0x1;
	s10 =	sld [smem:$0x3FBA];
	_ =	sdelay $0x3  }
0x34: {  	[smem:$0x3FBA] =	sst s10  }
0x35: {  	s10 =	sld [smem:$0x3FB9];
	_ =	sdelay $0x3  }
0x36: {  	p1 =	seq.s32 s10, $0x1;
	s10 =	sld [smem:$0x3FBA];
	_ =	sdelay $0x3  }
0x37: {  	[smem:$0x3FBA] =	sst s10  }
0x38: {  	s10 =	sld [smem:$0x3FBB]  }
0x39: {  	_ = 	snop;
	(pc) =	sbr.ind lr, $3  }
0x3a: {  	_ = 	snop  }
0x3b: {  	_ = 	snop  }
0x3c: {  	p2 =	seq.s32 s10, $0x1;
	s10 =	sld [smem:$0x3FBA]  }
0x3d: {  	_ =	shalt  }
0x3e: {  	_ =	shalt  }
0x3f: {  	_ =	shalt  }
0x40: {  	_ =	shalt  }
0x41: {  	_ =	shalt  }
0x42: {  	_ =	shalt  }
0x43: {  	_ =	shalt  }
0x44: {  	_ =	shalt  }
0x45: {  	_ =	shalt  }
0x46: {  	_ =	shalt  }
0x47: {  	_ =	shalt  }
0x48: {  	_ =	shalt  }
0x49: {  	_ =	shalt  }
0x4a: {  	_ =	shalt  }
0x4b: {  	_ =	shalt  }
0x4c: {  	_ =	shalt  }
0x4d: {  	_ =	shalt  }
0x4e: {  	_ =	shalt  }
0x4f: {  	_ =	shalt  }
0x50: {  	_ =	shalt  }
0x51: {  	_ =	shalt  }
0x52: {  	_ =	shalt  }
0x53: {  	_ =	shalt  }
0x54: {  	_ =	shalt  }
0x55: {  	_ =	shalt  }
0x56: {  	_ =	shalt  }
0x57: {  	_ =	shalt  }
0x58: {  	_ =	shalt  }
0x59: {  	_ =	shalt  }
0x5a: {  	_ =	shalt  }
0x5b: {  	_ =	shalt  }
0x5c: {  	_ =	shalt  }
0x5d: {  	_ =	shalt  }
0x5e: {  	_ =	shalt  }
0x5f: {  	_ =	shalt  }
0x60: {  	_ =	shalt  }
0x61: {  	_ =	shalt  }
0x62: {  	_ =	shalt  }
0x63: {  	_ =	shalt  }
0x64: {  	_ =	shalt  }
0x65: {  	_ =	shalt  }
0x66: {  	_ =	shalt  }
0x67: {  	_ =	shalt  }
0x68: {  	_ =	shalt  }
0x69: {  	_ =	shalt  }
0x6a: {  	_ =	shalt  }
0x6b: {  	_ =	shalt  }
0x6c: {  	_ =	shalt  }
0x6d: {  	_ =	shalt  }
0x6e: {  	_ =	shalt  }
0x6f: {  	_ =	shalt  }
0x70: {  	_ =	shalt  }
0x71: {  	_ =	shalt  }
0x72: {  	_ =	shalt  }
0x73: {  	_ =	shalt  }
0x74: {  	_ =	shalt  }
0x75: {  	_ =	shalt  }
0x76: {  	_ =	shalt  }
0x77: {  	_ =	shalt  }
0x78: {  	_ =	shalt  }
0x79: {  	_ =	shalt  }
0x7a: {  	_ =	shalt  }
0x7b: {  	_ =	shalt  }
0x7c: {  	_ =	shalt  }
0x7d: {  	_ =	shalt  }
0x7e: {  	_ =	shalt  }
0x7f: {  	_ =	shalt  }
0x80: {  	_ =	shalt  }
0x81: {  	_ =	shalt  }
0x82: {  	_ =	shalt  }
0x83: {  	_ =	shalt  }
0x84: {  	_ =	shalt  }
0x85: {  	_ =	shalt  }
0x86: {  	_ =	shalt  }
0x87: {  	_ =	shalt  }
.Lfunc_end0:
.L_simem_size_0:
called_computation.1_lowered:
.L_overlay_start_0:
0x88: {  	s2 =	sld [smem:$0x3FD9]  }
0x89: {  	s3 =	sld [smem:$0x3FFE];
	_ =	sdelay $0x1  }
0x8a: {  	s1 =	srdreg.scid  }
0x8b: {  	s0 =	sand.u32 $0x1, s1  }
0x8c: {  	s17 =	sshll.u32 s0, $0xA;
	s2 =	sadd.s32 s3, s2  }
0x8d: {  	s2 =	sadd.s32 s2, s17  }
0x8e: {  	[smem:$0x3FC6] =	sst s2  }
0x8f: {  	_ = 	snop  }
0x90: {  	s2 =	sld [smem:$0x3FD0];
	(tm) =	ssettm $0x1  }
0x91: {  	s18 =	sld [smem:$0x3FFB];
	_ =	sdelay $0x3  }
0x92: {  	_ =	strace s18  }
0x93: {  	s3 =	sld [smem:$0x3FFC];
	_ =	sdelay $0x3  }
0x94: {  	_ =	strace s3  }
0x95: {  	s3 =	sld [smem:$0x3FFD];
	_ =	sdelay $0x3  }
0x96: {  	_ =	strace s3  }
0x97: {  	_ =	strace $0x8FFFFFFF  }
0x98: {  	s19 =	sld [smem:$0x3FDB];
	_ =	sdelay $0x1  }
0x99: {  	s4 =	simm.s32 $_scs_section_size  }
0x9a: {  	s5 =	simm.s32 $_size__tile_overlayer_lowered;
	s6 =	simm.s32 $_tile_overlayer_lowered  }
0x9b: {  	s22 =	simm.s32 $0x1BFF;
	s21 =	sshll.u32 s6, $0x1;
	s3 =	sadd.s32 s4, s19  }
0x9c: {  	s7 =	simm.s32 $0x0;
	s20 =	sshll.u32 s5, $0x1;
	s5 =	sadd.s32 s21, s3  }
0x9d: {  	[timem:s7], [sflag:s22] =	dma.local [hbm:s5], s20  }
0x9e: {  	_ =	swait.ge [sflag:s22], s20  }
0x9f: {  	s4 =	ssub.s32 $0x0, s20;
	[sflag:s22] =	ssyncset.done $0x0  }
0xa0: {  	[sflag:s22] =	ssyncadd.s32 s4;
	_ =	sdelay $0x1  }
0xa1: {  	s23 =	simm.s32 $0x1B8B  }
0xa2: {  	_ =	swait.ge [sflag:s23], $0x1  }
0xa3: {  	[sflag:s23] =	ssyncset.done $0x0  }
0xa4: {  	s25 =	simm.s32 $0x1B8E;
	s24 =	sld [smem:$0x3FFE];
	[sflag:s23] =	ssyncadd.s32 $0xFFFFFFFF  }
0xa5: {  	s26 =	simm.s32 $execute0_lowered;
	[smem:$0x3FD2] =	sst s25  }
0xa6: {  	s5 =	sshll.u32 s26, $0x1;
	_ =	strace $0x80000046;
	[dreg:$0x1] =	wrdreg $0xFFFFFFFF  }
0xa7: {  	s28 =	simm.s32 $_size_execute0_lowered;
	s3 =	sadd.s32 s3, s5;
	[dreg:$0x0] =	wrdreg $0x0  }
0xa8: {  	s5 =	sshll.u32 s28, $0x1;
	[dreg:$0x2] =	wrdreg s3  }
0xa9: {  	[dreg:$0x3] =	wrdreg s5  }
0xaa: {  	[dreg:$0x4] =	wrdreg $0xC0  }
0xab: {  	_ =	task [dreg:s7], $0x5FFFF  }
0xac: {  	[dreg:$0x1] =	wrdreg $0xFFFFFFFF  }
0xad: {  	[dreg:$0x0] =	wrdreg $0x60  }
0xae: {  	[dreg:$0x2] =	wrdreg s24  }
0xaf: {  	[dreg:$0x3] =	wrdreg s2  }
0xb0: {  	[dreg:$0x4] =	wrdreg $0x9  }
0xb1: {  	_ =	task.clear_ibuf [dreg:s7], $0x5FFFF;
	_ =	strace $0x90000046  }
0xb2: {  	s29 =	simm.s32 $0x9;
	_ =	strace $0x80000048  }
0xb3: {  	_ =	swait.ge [sflag:s29], $0x1  }
0xb4: {  	[sflag:s29] =	ssyncadd.s32 $0xFFFFFFFF  }
0xb5: {  	_ =	strace $0x90000048  }
0xb6: {  	_ =	sfence  }
0xb7: {  	s30 =	sld [smem:$0x0];
	_ =	sdelay $0x2  }
0xb8: {  	s31 =	sshll.u32 s1, $0xD;
	s1 =	sshrl.u32 s1, $0x2  }
0xb9: {  	s3 =	sand.u32 $0x4000, s31;
	s1 =	sadd.s32 s1, s30  }
0xba: {  	s0 =	sor.u32 s3, s0;
	s1 =	sshll.u32 s1, $0x11  }
0xbb: {  	s0 =	sor.u32 s1, s0  }
0xbc: {  	s0 =	sadd.s32 $0x8F2B, s0  }
0xbd: {  	[sflag:s0] =	ssyncadd.remote.s32 $0x1  }
0xbe: {  	_ =	sfence.sel $0xFFFF  }
0xbf: {  	[dreg:$0x0] =	wrdreg $0xFFFFFFFF;
	(pc) =	sbr.abs _section_cstart, $3  }
0xc0: {  	[dreg:$0x1] =	wrdreg $0xFFFFFFFF  }
0xc1: {  	_ =	task.clear_ibuf [dreg:s7], $0x2FFFF;
	_ =	strace $0x9FFFFFFF  }
0xc2: {  	(tm) =	ssettm $0x7FFFFFFF  }
0xc3: {  	_ =	shalt  }
tec
execute0_lowered:
.L_overlay_start_1:
0x0: {  	(tag) =	ssettag $0x1  }
0x1: {  	s0 =	srdreg.scid  }
0x2: {  	s9 =	stileid.u32;
	s1 =	rddreg [dreg:$0x0]  }
0x3: {  	s12 =	rddreg [dreg:$0x1];
	s16 =	simm.s32 $0x6400;
	s8 =	smul.u32 $0x64000, s9  }
0x4: {  	s17 =	simm.s32 $0x8400;
	s18 =	simm.s32 $0x1;
	s11 =	smul.u32 $0x320000, s9  }
0x5: {  	s20 =	simm.s32 $0xA400;
	s0 =	sand.u32 $0x1, s0;
	s14 =	smul.u32 $0xC800, s9  }
0x6: {  	s22 =	simm.s32 $0xC400;
	s23 =	simm.s32 $0x2;
	s10 =	smul.u32 $0x32000, s0  }
0x7: {  	s24 =	simm.s32 $0x3;
	s2 =	sshll.u32 s9, $0x1;
	s13 =	smul.u32 $0x190000, s0  }
0x8: {  	s3 =	sor.u32 s0, s2;
	s5 =	ssub.s32 $0x2, s0;
	s0 =	smul.u32 $0x6400, s0  }
0x9: {  	s28 =	simm.s32 $0x4;
	s2 =	simm.s32 $0x0;
	s4 =	smul.u32 $0x6400, s3  }
0xa: {  	s29 =	simm.s32 $0x0;
	[smem:$0x7FF] =	sst s2;
	s7 =	smul.u32 $0x190000, s3  }
0xb: {  	s6 =	smul.u32 $0x32000, s3;
	s3 =	sadd.s32 $0xF42E00, s1;
	s15 =	sadd.s32 s8, s12  }
0xc: {  	s25 =	sshrl.u32 s5, $0x1;
	_ =	strace $0x80000047;
	s30 =	sadd.s32 s10, s15  }
0xd: {  	s31 =	sadd.s32 s13, s11;
	s0 =	sadd.s32 s0, s14;
	s14 =	simm.s32 $0x5  }
0xe: {  	s15 =	simm.s32 $0x80;
	s4 =	sshrl.u32 s4, $0x3;
	s26 =	sadd.s32 s6, s12  }
0xf: {  	s7 =	sshrl.u32 s7, $0x3;
	s10 =	sadd.s32 $0x1400, s30;
	s11 =	sor.u32 $0x8000, s31  }
0x10: {  	s0 =	sshll.u32 s0, $0x3;
	s4 =	sadd.s32 s4, s1;
	s1 =	ssub.s32 s5, s25  }
0x11: {  	s6 =	sadd.s32 $0x400, s26;
	s7 =	sadd.s32 s12, s7;
	s9 =	sadd.s32 $0xC00, s26  }
0x12: {  	s11 =	sshrl.u32 s11, $0x3;
	s0 =	sadd.s32 s0, s12;
	s1 =	smax.u32 s1, $0x1  }
0x13: {  	s4 =	sadd.s32 $0xA00, s4;
	[dreg:$0x4] =	wrdreg s1;
	s1 =	sor.u32 $0xC000, s31  }
0x14: {  	s8 =	sadd.s32 $0x800, s7;
	s11 =	sadd.s32 s11, s12;
	s1 =	sshrl.u32 s1, $0x3  }
0x15: {  	s21 =	sadd.s32 $0x1C00, s0;
	[dreg:$0x3] =	wrdreg s4;
	s12 =	sadd.s32 s1, s12  }
.LBB2_1:
0x16: {  	s0 =	rddreg [dreg:$0x3]  }
0x17: {  	[tilespmem:s2], [sflag:$0x5] =	stream.linear.gather [hbm4b:s0+s2], $0x6400, $0x38;
	[tilespmem:$0xE400] =	vst v63  }
0x18: {  	_ =	swait.ge [sflag:s14], $0x6400  }
0x19: {  	[sflag:s14] =	ssyncset.done $0x0  }
0x1a: {  	[sflag:s14] =	ssyncadd.s32 $0xFFFF9C00  }
0x1b: {  	[tilespmem:s16], [sflag:$0x1] =	stream.indirect.gather [hbm4b:s3+s15], $0x40, s2, s15, $0xb8;
	[tilespmem:$0xE400] =	vst v63  }
0x1c: {  	_ = 	snop  }
0x1d: {  	[tilespmem:s17], [sflag:$0x1] =	stream.indirect.gather [hbm4b:s3+s15], $0x40, s15, s15, $0xb8;
	[tilespmem:$0xE400] =	vst v63  }
0x1e: {  	_ =	swait.ge [sflag:s18], $0x2000  }
0x1f: {  	[sflag:s18] =	ssyncset.done $0x0  }
0x20: {  	[sflag:s18] =	ssyncadd.s32 $0xFFFFE000  }
0x21: {  	_ =	swait.ge [sflag:s18], $0x2000  }
0x22: {  	[sflag:s18] =	ssyncset.done $0x0  }
0x23: {  	s4 =	simm.s32 $0x100;
	[sflag:s18] =	ssyncadd.s32 $0xFFFFE000  }
0x24: {  	[tilespmem:s20], [sflag:$0x2] =	stream.indirect.gather [hbm4b:s3+s15], $0x40, s4, s15, $0xb8;
	[tilespmem:$0xE400] =	vst v63  }
0x25: {  	s5 =	simm.s32 $0x180  }
0x26: {  	[tilespmem:s22], [sflag:$0x2] =	stream.indirect.gather [hbm4b:s3+s15], $0x40, s5, s15, $0xb8;
	[tilespmem:$0xE400] =	vst v63  }
0x27: {  	_ = 	snop  }
0x28: {  	[hbm4b:s7+s2] =	stream.linear.scatter [tilespmem:s16], [sflag:$0x3], $0x2000, $0x38;
	[tilespmem:$0xE400] =	vst v63  }
0x29: {  	_ = 	snop  }
0x2a: {  	[hbm4b:s6+s2] =	stream.linear.scatter [tilespmem:s17], [sflag:$0x3], $0x2000, $0x38;
	[tilespmem:$0xE400] =	vst v63  }
0x2b: {  	_ =	swait.ge [sflag:s23], $0x2000  }
0x2c: {  	[sflag:s23] =	ssyncset.done $0x0  }
0x2d: {  	[sflag:s23] =	ssyncadd.s32 $0xFFFFE000  }
0x2e: {  	_ =	swait.ge [sflag:s23], $0x2000  }
0x2f: {  	[sflag:s23] =	ssyncset.done $0x0  }
0x30: {  	[sflag:s23] =	ssyncadd.s32 $0xFFFFE000  }
0x31: {  	_ =	swait.ge [sflag:s24], $0x2000  }
0x32: {  	[sflag:s24] =	ssyncset.done $0x0  }
0x33: {  	[sflag:s24] =	ssyncadd.s32 $0xFFFFE000  }
0x34: {  	_ =	swait.ge [sflag:s24], $0x2000  }
0x35: {  	[sflag:s24] =	ssyncset.done $0x0  }
0x36: {  	s13 =	simm.s32 $0x200;
	[sflag:s24] =	ssyncadd.s32 $0xFFFFE000  }
0x37: {  	[tilespmem:s16], [sflag:$0x1] =	stream.indirect.gather [hbm4b:s3+s15], $0x40, s13, s15, $0xb8;
	[tilespmem:$0xE400] =	vst v63  }
0x38: {  	s19 =	simm.s32 $0x280  }
0x39: {  	[tilespmem:s17], [sflag:$0x1] =	stream.indirect.gather [hbm4b:s3+s15], $0x40, s19, s15, $0xb8;
	[tilespmem:$0xE400] =	vst v63  }
0x3a: {  	_ = 	snop  }
0x3b: {  	[hbm4b:s8+s2] =	stream.linear.scatter [tilespmem:s20], [sflag:$0x4], $0x2000, $0x38;
	[tilespmem:$0xE400] =	vst v63  }
0x3c: {  	_ = 	snop  }
0x3d: {  	[hbm4b:s9+s2] =	stream.linear.scatter [tilespmem:s22], [sflag:$0x4], $0x2000, $0x38;
	[tilespmem:$0xE400] =	vst v63  }
0x3e: {  	_ =	swait.ge [sflag:s18], $0x2000  }
0x3f: {  	[sflag:s18] =	ssyncset.done $0x0  }
0x40: {  	[sflag:s18] =	ssyncadd.s32 $0xFFFFE000  }
0x41: {  	_ =	swait.ge [sflag:s18], $0x2000  }
0x42: {  	[sflag:s18] =	ssyncset.done $0x0  }
0x43: {  	[sflag:s18] =	ssyncadd.s32 $0xFFFFE000  }
0x44: {  	_ =	swait.ge [sflag:s28], $0x2000  }
0x45: {  	[sflag:s28] =	ssyncset.done $0x0  }
0x46: {  	[sflag:s28] =	ssyncadd.s32 $0xFFFFE000  }
0x47: {  	_ =	swait.ge [sflag:s28], $0x2000  }
0x48: {  	[sflag:s28] =	ssyncset.done $0x0  }
0x49: {  	s25 =	simm.s32 $0x300;
	[sflag:s28] =	ssyncadd.s32 $0xFFFFE000  }
0x4a: {  	[tilespmem:s20], [sflag:$0x2] =	stream.indirect.gather [hbm4b:s3+s15], $0x40, s25, s15, $0xb8;
	[tilespmem:$0xE400] =	vst v63  }
0x4b: {  	s26 =	simm.s32 $0x380  }
0x4c: {  	[tilespmem:s22], [sflag:$0x2] =	stream.indirect.gather [hbm4b:s3+s15], $0x40, s26, s15, $0xb8;
	[tilespmem:$0xE400] =	vst v63  }
0x4d: {  	_ = 	snop  }
0x4e: {  	[hbm4b:s11+s2] =	stream.linear.scatter [tilespmem:s16], [sflag:$0x3], $0x2000, $0x38;
	[tilespmem:$0xE400] =	vst v63  }
0x4f: {  	_ = 	snop  }
0x50: {  	[hbm4b:s10+s2] =	stream.linear.scatter [tilespmem:s17], [sflag:$0x3], $0x2000, $0x38;
	[tilespmem:$0xE400] =	vst v63  }
0x51: {  	_ =	swait.ge [sflag:s23], $0x2000  }
0x52: {  	[sflag:s23] =	ssyncset.done $0x0  }
0x53: {  	[sflag:s23] =	ssyncadd.s32 $0xFFFFE000  }
0x54: {  	_ =	swait.ge [sflag:s23], $0x2000  }
0x55: {  	[sflag:s23] =	ssyncset.done $0x0  }
0x56: {  	[sflag:s23] =	ssyncadd.s32 $0xFFFFE000  }
0x57: {  	_ =	swait.ge [sflag:s24], $0x2000  }
0x58: {  	[sflag:s24] =	ssyncset.done $0x0  }
0x59: {  	[sflag:s24] =	ssyncadd.s32 $0xFFFFE000  }
0x5a: {  	p0 =	por $0x0, $0x0;
	s30 =	simm.s32 $0x800;
	_ =	swait.ge [sflag:s24], $0x2000  }
0x5b: {  	s31 =	sadd.s32 $0x1000, s21;
	s0 =	simm.s32 @!p0 $0x6400;
	[sflag:s24] =	ssyncset.done $0x0  }
0x5c: {  	s1 =	simm.s32 @!p0 $0x400;
	s13 =	simm.s32 @!p0 $0x80;
	[sflag:s24] =	ssyncadd.s32 $0xFFFFE000  }
0x5d: {  	[tilespmem:s0], [sflag:$0x1] =	stream.indirect.gather @!p0 [hbm4b:s3+s13], $0x40, s1, s13, $0xb8;
	[tilespmem:$0xE400] =	vst v63  }
0x5e: {  	s19 =	sadd.s32 $0x1000, s12;
	s0 =	simm.s32 @!p0 $0x480;
	s1 =	simm.s32 @!p0 $0x8400  }
0x5f: {  	[tilespmem:s1], [sflag:$0x1] =	stream.indirect.gather @!p0 [hbm4b:s3+s13], $0x40, s0, s13, $0xb8;
	[tilespmem:$0xE400] =	vst v63  }
0x60: {  	s1 =	sadd.s32 $0x1000, s10;
	s0 =	sadd.s32 $0x1000, s11;
	s13 =	smov.u32 s21  }
0x61: {  	[hbm4b:s12+s2] =	stream.linear.scatter [tilespmem:s20], [sflag:$0x4], $0x2000, $0x38;
	[tilespmem:$0xE400] =	vst v63  }
.LBB2_2:
0x62: {  	[hbm4b:s13+s2] =	stream.linear.scatter [tilespmem:s22], [sflag:$0x4], $0x2000, $0x38;
	[tilespmem:$0xE400] =	vst v63  }
0x63: {  	s25 =	smov.u32 s30;
	s30 =	sadd.s32 $0x800, s30;
	_ =	swait.ge [sflag:s18], $0x2000  }
0x64: {  	s13 =	smov.u32 s31;
	p0 =	sne.s32 s30, $0x18800;
	[sflag:s18] =	ssyncset.done $0x0  }
0x65: {  	[sflag:s18] =	ssyncadd.s32 $0xFFFFE000  }
0x66: {  	_ =	swait.ge [sflag:s18], $0x2000  }
0x67: {  	[sflag:s18] =	ssyncset.done $0x0  }
0x68: {  	[sflag:s18] =	ssyncadd.s32 $0xFFFFE000  }
0x69: {  	_ =	swait.ge [sflag:s28], $0x2000  }
0x6a: {  	[sflag:s28] =	ssyncset.done $0x0  }
0x6b: {  	[sflag:s28] =	ssyncadd.s32 $0xFFFFE000  }
0x6c: {  	_ =	swait.ge [sflag:s28], $0x2000  }
0x6d: {  	s26 =	sshra.s32 s25, $0x2;
	[sflag:s28] =	ssyncset.done $0x0  }
0x6e: {  	s4 =	sadd.s32 $0x300, s26;
	[sflag:s28] =	ssyncadd.s32 $0xFFFFE000  }
0x6f: {  	[tilespmem:s20], [sflag:$0x2] =	stream.indirect.gather [hbm4b:s3+s15], $0x40, s4, s15, $0xb8;
	[tilespmem:$0xE400] =	vst v63  }
0x70: {  	s4 =	sadd.s32 $0x380, s26  }
0x71: {  	[tilespmem:s22], [sflag:$0x2] =	stream.indirect.gather [hbm4b:s3+s15], $0x40, s4, s15, $0xb8;
	[tilespmem:$0xE400] =	vst v63  }
0x72: {  	_ = 	snop  }
0x73: {  	[hbm4b:s0+s2] =	stream.linear.scatter [tilespmem:s16], [sflag:$0x3], $0x2000, $0x38;
	[tilespmem:$0xE400] =	vst v63  }
0x74: {  	_ = 	snop  }
0x75: {  	[hbm4b:s1+s2] =	stream.linear.scatter [tilespmem:s17], [sflag:$0x3], $0x2000, $0x38;
	[tilespmem:$0xE400] =	vst v63  }
0x76: {  	_ =	swait.ge [sflag:s23], $0x2000  }
0x77: {  	[sflag:s23] =	ssyncset.done $0x0  }
0x78: {  	[sflag:s23] =	ssyncadd.s32 $0xFFFFE000  }
0x79: {  	_ =	swait.ge [sflag:s23], $0x2000  }
0x7a: {  	[sflag:s23] =	ssyncset.done $0x0  }
0x7b: {  	[sflag:s23] =	ssyncadd.s32 $0xFFFFE000  }
0x7c: {  	_ =	swait.ge [sflag:s24], $0x2000  }
0x7d: {  	[sflag:s24] =	ssyncset.done $0x0  }
0x7e: {  	[sflag:s24] =	ssyncadd.s32 $0xFFFFE000  }
0x7f: {  	p1 =	seq.s32 s25, $0x18000;
	_ =	swait.ge [sflag:s24], $0x2000  }
0x80: {  	s4 =	sshra.s32 @!p1 s25, $0x2;
	s25 =	simm.s32 @!p1 $0x6400;
	[sflag:s24] =	ssyncset.done $0x0  }
0x81: {  	s5 =	simm.s32 @!p1 $0x80;
	s26 =	sadd.s32 @!p1 $0x400, s4;
	[sflag:s24] =	ssyncadd.s32 $0xFFFFE000  }
0x82: {  	[tilespmem:s25], [sflag:$0x1] =	stream.indirect.gather @!p1 [hbm4b:s3+s5], $0x40, s26, s5, $0xb8;
	[tilespmem:$0xE400] =	vst v63  }
.Ltmp0:
0x83: {  	s4 =	sadd.s32 @!p1 $0x480, s4;
	s25 =	simm.s32 @!p1 $0x8400;
	(pc) =	sbr.rel @p0 .LBB2_2-.Ltmp0, $4  }
0x84: {  	[tilespmem:s25], [sflag:$0x1] =	stream.indirect.gather @!p1 [hbm4b:s3+s5], $0x40, s4, s5, $0xb8;
	[tilespmem:$0xE400] =	vst v63  }
0x85: {  	s31 =	sadd.s32 $0x1000, s31  }
0x86: {  	[hbm4b:s19+s2] =	stream.linear.scatter [tilespmem:s20], [sflag:$0x4], $0x2000, $0x38;
	[tilespmem:$0xE400] =	vst v63  }
0x87: {  	s0 =	sadd.s32 $0x1000, s0;
	s1 =	sadd.s32 $0x1000, s1;
	s19 =	sadd.s32 $0x1000, s19  }
0x88: {  	[hbm4b:s13+s2] =	stream.linear.scatter [tilespmem:s22], [sflag:$0x4], $0x2000, $0x38;
	[tilespmem:$0xE400] =	vst v63  }
0x89: {  	_ =	swait.ge [sflag:s28], $0x2000  }
0x8a: {  	[sflag:s28] =	ssyncset.done $0x0  }
0x8b: {  	[sflag:s28] =	ssyncadd.s32 $0xFFFFE000  }
0x8c: {  	_ =	swait.ge [sflag:s28], $0x2000  }
0x8d: {  	s29 =	sadd.s32 $0x1, s29;
	s0 =	rddreg [dreg:$0x4]  }
0x8e: {  	p0 =	sne.s32 s29, s0  }
.Ltmp1:
0x8f: {  	_ = 	snop;
	(pc) =	sbr.rel @p0 .LBB2_1-.Ltmp1, $3  }
0x90: {  	_ =	sdelay $0x1  }
0x91: {  	[sflag:s28] =	ssyncset.done $0x0  }
0x92: {  	[sflag:s28] =	ssyncadd.s32 $0xFFFFE000  }
0x93: {  	_ =	sfence.sel $0x180000  }
0x94: {  	[bflag:$0x0] =	sbarrier.arrive $0xFFFF  }
0x95: {  	_ =	strace $0x90000047  }
0x96: {  	s0 =	stileid.u32;
	[bflag:$0x2] =	sbarrier.arrive $0xFFFF  }
0x97: {  	p0 =	sne.s32 s0, $0x0;
	s0 =	rddreg [dreg:$0x2]  }
0x98: {  	s0 =	sadd.s32 @!p0 $0x100000, s0  }
0x99: {  	[sflag:s0] =	ssyncadd.tile.s32 @!p0 $0x1;
	_ =	shalt  }
.Lfunc_end2:
_tile_overlayer_lowered:
.L_overlay_start_2:
0x9a: {  	(tag) =	ssettag $0x2  }
0x9b: {  	s0 =	rddreg [dreg:$0x0];
	s2 =	stileid.u32  }
0x9c: {  	s1 =	rddreg [dreg:$0x1];
	p0 =	sne.s32 s2, $0x0  }
0x9d: {  	s3 =	rddreg [dreg:$0x2];
	[bflag:$0x3] =	sbarrier.arrive $0xFFFF;
	s2 =	simm.s32 @!p0 $0x1C05  }
0x9e: {  	[timem:s3], [sflag:s2] =	dma.local @!p0 [hbm:s0], s1  }
0x9f: {  	s0 =	simm.s32 @!p0 $0x5  }
0xa0: {  	_ =	swait.ge @!p0 [sflag:s0], s1  }
0xa1: {  	s1 =	ssub.s32 @!p0 $0x0, s1;
	[sflag:s0] =	ssyncset.done @!p0 $0x0  }
0xa2: {  	[sflag:s0] =	ssyncadd.s32 @!p0 s1  }
0xa3: {  	[bflag:$0x3] =	sbarrier.arrive $0xFFFF  }
0xa4: {  	_ =	shalt  }

// kernel: sparse-core-data-format-call.cloned.1.call-start
scs
called_computation_lowered:
.L_overlay_start_0:
0x0: {  	s2 =	sld [smem:$0x3FD9]  }
0x1: {  	s3 =	sld [smem:$0x3FFE];
	_ =	sdelay $0x1  }
0x2: {  	s1 =	srdreg.scid  }
0x3: {  	s0 =	sand.u32 $0x1, s1  }
0x4: {  	s18 =	sshll.u32 s0, $0xA;
	s2 =	sadd.s32 s3, s2  }
0x5: {  	s2 =	sadd.s32 s2, s18  }
0x6: {  	[smem:$0x3FC6] =	sst s2  }
0x7: {  	_ = 	snop  }
0x8: {  	s2 =	sld [smem:$0x3FD0];
	(tm) =	ssettm $0x1  }
0x9: {  	s19 =	sld [smem:$0x3FFB];
	_ =	sdelay $0x3  }
0xa: {  	_ =	strace s19  }
0xb: {  	s3 =	sld [smem:$0x3FFC];
	_ =	sdelay $0x3  }
0xc: {  	_ =	strace s3  }
0xd: {  	s3 =	sld [smem:$0x3FFD];
	_ =	sdelay $0x3  }
0xe: {  	_ =	strace s3  }
0xf: {  	_ =	strace $0x8FFFFFFF  }
0x10: {  	s20 =	sld [smem:$0x3FDB];
	_ =	sdelay $0x1  }
0x11: {  	s4 =	simm.s32 $_scs_section_size  }
0x12: {  	s5 =	simm.s32 $_size__tile_overlayer_lowered;
	s6 =	simm.s32 $_tile_overlayer_lowered  }
0x13: {  	s23 =	simm.s32 $0x1BFF;
	s22 =	sshll.u32 s6, $0x1;
	s3 =	sadd.s32 s4, s20  }
0x14: {  	s7 =	simm.s32 $0x0;
	s21 =	sshll.u32 s5, $0x1;
	s5 =	sadd.s32 s22, s3  }
0x15: {  	[timem:s7], [sflag:s23] =	dma.local [hbm:s5], s21  }
0x16: {  	_ =	swait.ge [sflag:s23], s21  }
0x17: {  	s4 =	ssub.s32 $0x0, s21;
	[sflag:s23] =	ssyncset.done $0x0  }
0x18: {  	[sflag:s23] =	ssyncadd.s32 s4;
	_ =	sdelay $0x1  }
0x19: {  	s24 =	simm.s32 $0x1B8B  }
0x1a: {  	_ =	swait.ge [sflag:s24], $0x1  }
0x1b: {  	[sflag:s24] =	ssyncset.done $0x0  }
0x1c: {  	s26 =	simm.s32 $0x1B8E;
	s25 =	sld [smem:$0x3FFE];
	[sflag:s24] =	ssyncadd.s32 $0xFFFFFFFF  }
0x1d: {  	s27 =	simm.s32 $execute0_lowered;
	[smem:$0x3FD2] =	sst s26  }
0x1e: {  	s5 =	sshll.u32 s27, $0x1;
	_ =	strace $0x80000049;
	[dreg:$0x1] =	wrdreg $0xFFFFFFFF  }
0x1f: {  	s28 =	simm.s32 $_size_execute0_lowered;
	s3 =	sadd.s32 s3, s5;
	[dreg:$0x0] =	wrdreg $0x0  }
0x20: {  	s5 =	sshll.u32 s28, $0x1;
	[dreg:$0x2] =	wrdreg s3  }
0x21: {  	[dreg:$0x3] =	wrdreg s5  }
0x22: {  	[dreg:$0x4] =	wrdreg $0xC0  }
0x23: {  	_ =	task [dreg:s7], $0x5FFFF  }
0x24: {  	[dreg:$0x1] =	wrdreg $0xFFFFFFFF  }
0x25: {  	[dreg:$0x0] =	wrdreg $0x60  }
0x26: {  	[dreg:$0x2] =	wrdreg s25  }
0x27: {  	[dreg:$0x3] =	wrdreg s2  }
0x28: {  	[dreg:$0x4] =	wrdreg $0x9  }
0x29: {  	_ =	task.clear_ibuf [dreg:s7], $0x5FFFF;
	_ =	strace $0x90000049  }
0x2a: {  	s29 =	simm.s32 $0x9;
	_ =	strace $0x8000004B  }
0x2b: {  	_ =	swait.ge [sflag:s29], $0x1  }
0x2c: {  	[sflag:s29] =	ssyncadd.s32 $0xFFFFFFFF  }
0x2d: {  	_ =	strace $0x9000004B  }
0x2e: {  	_ =	sfence  }
0x2f: {  	s30 =	sld [smem:$0x0];
	_ =	sdelay $0x2  }
0x30: {  	s31 =	sshll.u32 s1, $0xD;
	s1 =	sshrl.u32 s1, $0x2  }
0x31: {  	s3 =	sand.u32 $0x4000, s31;
	s1 =	sadd.s32 s1, s30  }
0x32: {  	s0 =	sor.u32 s3, s0;
	s1 =	sshll.u32 s1, $0x11  }
0x33: {  	s0 =	sor.u32 s1, s0  }
0x34: {  	s0 =	sadd.s32 $0x8F2B, s0  }
0x35: {  	[sflag:s0] =	ssyncadd.remote.s32 $0x1  }
0x36: {  	_ =	sfence.sel $0xFFFF  }
0x37: {  	[dreg:$0x0] =	wrdreg $0xFFFFFFFF;
	(pc) =	sbr.abs _section_cstart, $3  }
0x38: {  	[dreg:$0x1] =	wrdreg $0xFFFFFFFF  }
0x39: {  	_ =	task.clear_ibuf [dreg:s7], $0x2FFFF;
	_ =	strace $0x9FFFFFFF  }
0x3a: {  	(tm) =	ssettm $0x7FFFFFFF  }
0x3b: {  	_ =	shalt  }
tec
execute0_lowered:
.L_overlay_start_1:
0x0: {  	(tag) =	ssettag $0x1  }
0x1: {  	s0 =	srdreg.scid  }
0x2: {  	s1 =	sshll.u32 s0, $0x4  }
0x3: {  	s0 =	stileid.u32;
	s1 =	sand.u32 $0x10, s1  }
0x4: {  	s1 =	sor.u32 s0, s1  }
0x5: {  	s6 =	rddreg [dreg:$0x0];
	s4 =	simm.s32 $0x1;
	s2 =	sshll.u32 s1, $0x7  }
0x6: {  	s7 =	simm.s32 $0x2;
	s12 =	simm.s32 $0x0;
	s1 =	ssub.s32 $0x1000, s2  }
0x7: {  	s8 =	simm.s32 $0x8000;
	s13 =	simm.s32 $0x0;
	s3 =	sand.u32 $0xF80, s1  }
0x8: {  	s9 =	simm.s32 $0x0;
	s5 =	sshrl.u32 s1, $0xC;
	p0 =	sne.s32 s3, $0x0  }
.Ltmp0:
0x9: {  	s1 =	rddreg [dreg:$0x2];
	s4 =	simm.s32 @!p0 $0x0;
	(pc) =	sbr.rel .LBB1_1-.Ltmp0, $4  }
0xa: {  	s11 =	simm.s32 $0x0;
	s3 =	rddreg [dreg:$0x1];
	s5 =	sadd.s32 s4, s5  }
0xb: {  	_ =	strace $0x8000004A;
	s4 =	simm.s32 $0x1;
	s5 =	smul.u32 $0xC8, s5  }
0xc: {  	s6 =	sadd.s32 $0xA00, s6;
	s10 =	smov.u32 s2;
	[sflag:s4] =	ssyncpa.u1 $0x0  }
0xd: {  	p0 =	por $0x0, $0x0;
	[sflag:s7] =	ssyncpa.u1 $0x0;
	s7 =	sor.u32 $0x1, s5  }
.LBB1_4:
0xe: {  	s16 =	sshll.u32 s13, $0x3;
	s17 =	sand.u32 $0x78, s13  }
0xf: {  	s30 =	sand.u32 $0x7E00, s13;
	s12 =	sshll.u32 s12, $0xF;
	s16 =	sand.u32 $0xC00, s16  }
0x10: {  	[tilespmem:s15+$0x810 ss:$0x81] =	vst.msk $0xffff, v2;
	s31 =	sand.u32 $0x7, s13;
	s16 =	sor.u32 s17, s16;
	s17 =	sadd.s32 s3, s30  }
0x11: {  	[tilespmem:s15+$0x1020 ss:$0x81] =	vst.msk $0xffff, v0;
	s13 =	sshll.u32 s31, $0x12;
	s12 =	sadd.s32 s12, s17;
	s16 =	sshrl.u32 s16, $0x3  }
0x12: {  	[tilespmem:s15+$0x0 ss:$0x81] =	vst.msk $0xffff, v1;
	s13 =	sor.u32 $0x400, s13;
	s12 =	sadd.s32 s16, s12  }
0x13: {  	[hbm4b:s12+s13] =	stream.strided.scatter [tilespmem:s14], [sflag:$0x2], $0x2000, s8, s13, $0x20;
	[tilespmem:$0x8080] =	vst v63  }
.LBB1_5:
0x14: {  	s14 =	sadd.s32 $0x1, s9  }
0x15: {  	s12 =	sadd.s32 $0x1000, s10;
	s16 =	smov.u32 s10;
	p2 =	sgt.s32 s14, $0xC7  }
0x16: {  	s16 =	smov.u32 @p2 s12  }
0x17: {  	s14 =	simm.s32 @p2 $0x0;
	p2 =	sgt.s32 s16, $0xFFF  }
0x18: {  	s16 =	smov.u32 @p2 s2;
	p2 =	sne.s32 s11, s7  }
.Ltmp1:
0x19: {  	p1 =	slt.u32 s11, $0x2;
	(pc) =	sbr.rel @!p2 .LBB1_6-.Ltmp1, $4  }
0x1a: {  	s15 =	simm.s32 @!p1 $0x2  }
0x1b: {  	s13 =	smov.u32 s10;
	p0 =	por !p0, !p0;
	_ =	swait.ge @!p1 [sflag:s15], $0x2000  }
0x1c: {  	s12 =	smov.u32 s9;
	[sflag:s15] =	ssyncset.done @!p1 $0x0;
	s9 =	smov.u32 s14  }
0x1d: {  	s11 =	sadd.s32 $0x1, s11;
	[sflag:s15] =	ssyncadd.s32 @!p1 $0xFFFFE000;
	s10 =	smov.u32 s16  }
.LBB1_1:
0x1e: {  	p1 =	sge.u32 s11, s5  }
0x1f: {  	s14 =	sand.u32 @!p1 $0x1FFFFFF, s9  }
0x20: {  	s15 =	smulhi.u32 @!p1 $0x147AE15, s14;
	_ =	sdelay $0x1  }
0x21: {  	s15 =	smul.u32 @!p1 $0xC8, s15  }
0x22: {  	s16 =	sxor.u32 @!p1 $0xFFFFFFFF, s11;
	s17 =	smul.u32 @!p1 $0xC80, s10  }
0x23: {  	s31 =	sadd.s32 $0xFFFFFFFF, s11;
	s16 =	sshll.u32 @!p1 s16, $0xD;
	s14 =	ssub.s32 @!p1 s14, s15  }
0x24: {  	s15 =	sand.u32 @!p1 $0x2000, s16;
	s16 =	sadd.s32 @!p1 s6, s17;
	s14 =	sshll.u32 @!p1 s14, $0x4  }
0x25: {  	s17 =	simm.s32 @!p1 $0x6400;
	s14 =	sadd.s32 @!p1 s14, s16;
	s16 =	simm.s32 @!p1 $0x40  }
0x26: {  	[tilespmem:s15], [sflag:$0x1] =	stream.strided.gather @!p1 [hbm4b:s14+s16], $0x2000, s17, s16, $0x38;
	[tilespmem:$0x8080] =	vst v63  }
0x27: {  	p1 =	sge.u32 s31, s5  }
.Ltmp2:
0x28: {  	_ = 	snop;
	(pc) =	sbr.rel @p1 .LBB1_5-.Ltmp2, $1  }
0x29: {  	_ =	sdelay $0x3  }
0x2a: {  	s14 =	simm.s32 $0x1  }
0x2b: {  	_ =	swait.ge [sflag:s4], $0x2000;
	s14 =	simm.s32 @!p0 $0x0  }
0x2c: {  	[sflag:s4] =	ssyncset.done $0x0;
	s15 =	sshll.u32 s14, $0xD  }
0x2d: {  	[sflag:s4] =	ssyncadd.s32 $0xFFFFE000;
	s18 =	sor.u32 $0x20, s15  }
0x2e: {  	s14 =	smul.u32 $0x8100, s14;
	v3 =	vld [tilespmem:s18+$0x10]  }
0x2f: {  	s30 =	sand.u32 $0x1, s11;
	v2 =	vld [tilespmem:s18+$0xFFFFFFF0]  }
0x30: {  	s15 =	smul.u32 $0x8100, s30;
	s14 =	sshrl.u32 s14, $0x2;
	v0 =	vld [tilespmem:s18+$0x0]  }
0x31: {  	v1 =	vld [tilespmem:s18+$0xFFFFFFE0];
	s16 =	sor.u32 $0x4000, s14  }
0x32: {  	s31 =	sshrl.u32 s15, $0x2;
	s15 =	sadd.s32 $0x0, s16  }
0x33: {  	s17 =	simm.s32 $0x4;
	s18 =	sadd.s32 $0x40, s18;
	s14 =	sor.u32 $0x4000, s31;
	[tilespmem:s15+$0x1830 ss:$0x81] =	vst.msk $0xffff, v3  }
.LBB1_3:
0x34: {  	v3 =	vld [tilespmem:s18+$0x10];
	p1 =	sne.s32 s17, $0x1FC;
	[tilespmem:s15+$0x810 ss:$0x81] =	vst.msk $0xffff, v2;
	s19 =	smov.u32 s17;
	s17 =	sadd.s32 $0x4, s17  }
.Ltmp3:
0x35: {  	v2 =	vld [tilespmem:s18+$0xFFFFFFF0];
	[tilespmem:s15+$0x1020 ss:$0x81] =	vst.msk $0xffff, v0;
	(pc) =	sbr.rel @p1 .LBB1_3-.Ltmp3, $4  }
0x36: {  	v0 =	vld [tilespmem:s18+$0x0];
	[tilespmem:s15+$0x0 ss:$0x81] =	vst.msk $0xffff, v1  }
0x37: {  	s15 =	sshra.s32 s19, $0x2;
	v1 =	vld [tilespmem:s18+$0xFFFFFFE0]  }
0x38: {  	s15 =	sadd.s32 s15, s16  }
0x39: {  	s18 =	sadd.s32 $0x40, s18;
	[tilespmem:s15+$0x1830 ss:$0x81] =	vst.msk $0xffff, v3  }
.Ltmp4:
0x3a: {  	_ = 	snop;
	(pc) =	sbr.rel .LBB1_4-.Ltmp4, $1  }
0x3b: {  	_ =	sdelay $0x3  }
.LBB1_6:
0x3c: {  	_ =	sfence.sel $0x180000  }
0x3d: {  	s2 =	simm.s32 $0x1;
	[bflag:$0x0] =	sbarrier.arrive $0xFFFF  }
0x3e: {  	s31 =	simm.s32 $0x2;
	[sflag:s2] =	ssyncpa.u1 $0x1  }
0x3f: {  	[sflag:s31] =	ssyncpa.u1 $0x1  }
0x40: {  	p0 =	sne.s32 s0, $0x0;
	_ =	strace $0x9000004A  }
0x41: {  	s0 =	sadd.s32 @!p0 $0x100000, s1;
	[bflag:$0x2] =	sbarrier.arrive $0xFFFF  }
0x42: {  	[sflag:s0] =	ssyncadd.tile.s32 @!p0 $0x1;
	_ =	shalt  }
.Lfunc_end1:
_tile_overlayer_lowered:
.L_overlay_start_2:
0x43: {  	(tag) =	ssettag $0x2  }
0x44: {  	s0 =	rddreg [dreg:$0x0];
	s2 =	stileid.u32  }
0x45: {  	s1 =	rddreg [dreg:$0x1];
	p0 =	sne.s32 s2, $0x0  }
0x46: {  	s3 =	rddreg [dreg:$0x2];
	[bflag:$0x3] =	sbarrier.arrive $0xFFFF;
	s2 =	simm.s32 @!p0 $0x1C01  }
0x47: {  	[timem:s3], [sflag:s2] =	dma.local @!p0 [hbm:s0], s1  }
0x48: {  	s0 =	simm.s32 @!p0 $0x1  }
0x49: {  	_ =	swait.ge @!p0 [sflag:s0], s1  }
0x4a: {  	s1 =	ssub.s32 @!p0 $0x0, s1;
	[sflag:s0] =	ssyncset.done @!p0 $0x0  }
0x4b: {  	[sflag:s0] =	ssyncadd.s32 @!p0 s1  }
0x4c: {  	[bflag:$0x3] =	sbarrier.arrive $0xFFFF  }
0x4d: {  	_ =	shalt  }

</sc_bundles>
